<compile_context>
chip_gen: v7x
topology: tpu7x:2x2x1
jax: 0.10.2.dev20260603
libtpu: 0.0.44.dev20260713+nightly
codegen_flags: <defaults>
</compile_context>

<pallas_src>
import dataclasses

import jax
import jax.numpy as jnp
from jax import lax
from jax.experimental import pallas as pl
from jax.experimental.pallas import tpu as pltpu
from jax.experimental.pallas import tpu_sc as plsc

N = 10000
D = 128
H = 64
G = 64
NC = 10

NCORES = 2
NSUB = 16
NW = NCORES * NSUB
LANES = 16

CHUNK = 256
NCH = 42
EPT = NCH * CHUNK
EPAD = NW * EPT
E_REAL = 320000 + N
NPAD = 10240
RPT = NPAD // NSUB
HP = 64



def _tc_pre_body(x_ref, w_ref, as_ref, ad_ref, h_ref, att_ref):
    h = jnp.dot(x_ref[...], w_ref[...], preferred_element_type=jnp.float32)
    h_ref[0:N, 0:H] = h
    if HP > H:
        h_ref[0:N, H:HP] = jnp.zeros((N, HP - H), jnp.float32)
    h_ref[N:NPAD, :] = jnp.zeros((NPAD - N, HP), jnp.float32)
    a_s = jnp.sum(h * as_ref[...], axis=-1)
    a_d = jnp.sum(h * ad_ref[...], axis=-1)
    att_ref[...] = jnp.stack([a_s, a_d])


def _tc_pre(x, w, att_s, att_d):
    n = x.shape[0]
    return pl.pallas_call(
        _tc_pre_body,
        out_shape=[
            jax.ShapeDtypeStruct((NPAD, HP), jnp.float32),
            jax.ShapeDtypeStruct((2, n), jnp.float32),
        ],
    )(x, w, att_s.reshape(1, -1), att_d.reshape(1, -1))


def _tc_mid_body(p_ref, d_ref, b_ref, w_ref, as_ref, ad_ref, h_ref, att_ref):
    num = p_ref[0:N, 0:H] + p_ref[NPAD:NPAD + N, 0:H]
    den = jnp.sum(d_ref[...], axis=0) + 1e-16
    h1 = jnp.maximum(num / den[:, None] + b_ref[...], 0.0)
    h = jnp.dot(h1, w_ref[...], preferred_element_type=jnp.float32)
    h_ref[0:N, 0:H] = h
    if HP > H:
        h_ref[0:N, H:HP] = jnp.zeros((N, HP - H), jnp.float32)
    h_ref[N:NPAD, :] = jnp.zeros((NPAD - N, HP), jnp.float32)
    a_s = jnp.sum(h * as_ref[...], axis=-1)
    a_d = jnp.sum(h * ad_ref[...], axis=-1)
    att_ref[...] = jnp.stack([a_s, a_d])


def _tc_mid(p, dpart, b1, w2, att_s2, att_d2):
    return pl.pallas_call(
        _tc_mid_body,
        out_shape=[
            jax.ShapeDtypeStruct((NPAD, HP), jnp.float32),
            jax.ShapeDtypeStruct((2, N), jnp.float32),
        ],
    )(p, dpart, b1.reshape(1, -1), w2,
      att_s2.reshape(1, -1), att_d2.reshape(1, -1))


def _tc_head_body(p_ref, d_ref, b_ref, batch_ref, wl_ref, bl_ref, wc_ref,
                  bc_ref, out_ref):
    num = p_ref[0:N, 0:H] + p_ref[NPAD:NPAD + N, 0:H]
    den = jnp.sum(d_ref[...], axis=0) + 1e-16
    h = num / den[:, None] + b_ref[...]
    gids = lax.broadcasted_iota(jnp.int32, (G, N), 0)
    onehot = (gids == batch_ref[...]).astype(jnp.float32)
    sums = jnp.dot(onehot, h, preferred_element_type=jnp.float32)
    counts = jnp.sum(onehot, axis=1)
    pooled = sums / jnp.maximum(counts, 1.0)[:, None]
    z = jnp.maximum(jnp.dot(pooled, wl_ref[...],
                            preferred_element_type=jnp.float32)
                    + bl_ref[...], 0.0)
    logits = jnp.dot(z, wc_ref[...],
                     preferred_element_type=jnp.float32) + bc_ref[...]
    shifted = logits - jnp.max(logits, axis=1, keepdims=True)
    lse = jnp.log(jnp.sum(jnp.exp(shifted), axis=1, keepdims=True))
    out_ref[...] = shifted - lse


def _tc_head(p, dpart, b2, batch, w_lin, b_lin, w_cls, b_cls):
    return pl.pallas_call(
        _tc_head_body,
        out_shape=jax.ShapeDtypeStruct((G, NC), jnp.float32),
    )(p, dpart, b2.reshape(1, -1), batch.reshape(1, -1),
      w_lin, b_lin.reshape(1, -1), w_cls, b_cls.reshape(1, -1))



def _sc_edge_body(src_hbm, dst_hbm, att_hbm, h_hbm,
                  p_hbm, dpart_hbm,
                  srcv, dstv, asv, adv, exv, denv, hbuf, mbuf,
                  gsa, gsb, ssa, ssb, shared_out):
    cid = lax.axis_index("c")
    sid = lax.axis_index("s")
    wid = cid * NSUB + sid

    pltpu.sync_copy(src_hbm.at[wid], srcv)
    pltpu.sync_copy(dst_hbm.at[wid], dstv)
    pltpu.sync_copy(att_hbm.at[pl.ds(0, N)], asv)
    pltpu.sync_copy(att_hbm.at[pl.ds(N, N)], adv)

    zeros16 = jnp.zeros((LANES,), jnp.float32)
    zrow = jnp.zeros((1, LANES), jnp.float32)

    @pl.loop(0, N, step=LANES)
    def _(i):
        denv[pl.ds(i, LANES)] = zeros16

    @pl.loop(0, CHUNK)
    def _(r):
        for cg in range(HP // LANES):
            hbuf[r, pl.ds(cg * LANES, LANES)] = zeros16

    for kk in range(5):
        pltpu.sync_copy(
            hbuf.at[pl.ds(0, 128)],
            shared_out.at[pl.ds(sid * RPT + kk * 128, 128)])

    neg = jnp.full((LANES,), -3.0e38, jnp.float32)
    mbuf[...] = neg

    @pl.loop(0, N, step=LANES)
    def _(i):
        mbuf[...] = jnp.maximum(mbuf[...], asv[pl.ds(i, LANES)])

    ms = jnp.max(mbuf[...])
    mbuf[...] = neg

    @pl.loop(0, N, step=LANES)
    def _(i):
        mbuf[...] = jnp.maximum(mbuf[...], adv[pl.ds(i, LANES)])

    md = jnp.max(mbuf[...])
    mlb = ms + md
    c = jnp.maximum(mlb, 0.2 * mlb)
    cvec = lax.broadcast(c, (LANES,))

    iota16 = lax.iota(jnp.int32, LANES)
    base0 = wid * EPT

    @pl.loop(0, NCH)
    def _(j):
        cbase = base0 + j * CHUNK

        @pl.loop(0, CHUNK, step=LANES)
        def _(i):
            sidx = srcv[j, pl.ds(i, LANES)]
            didx = dstv[j, pl.ds(i, LANES)]
            s = plsc.load_gather(asv, [sidx])
            d = plsc.load_gather(adv, [didx])
            t = s + d
            t = jnp.maximum(t, 0.2 * t) - cvec
            e = jnp.exp(t)
            gid = lax.broadcast(cbase + i, (LANES,)) + iota16
            e = jnp.where(gid < E_REAL, e, 0.0)
            exv[j, pl.ds(i, LANES)] = e
            plsc.addupdate_scatter(denv, [didx], e)

    pltpu.sync_copy(denv, dpart_hbm.at[pl.ds(wid * N, N)])

    plsc.subcore_barrier()

    def scale(buf, j):
        jvec = lax.broadcast(j, (LANES,))

        @pl.loop(0, CHUNK)
        def _(e):
            ev = plsc.load_gather(exv, [jvec, lax.broadcast(e, (LANES,))])
            for cg in range(H // LANES):
                sl = pl.ds(cg * LANES, LANES)
                buf[e, sl] = buf[e, sl] * ev

    def gstart(j, buf, sem):
        pltpu.async_copy(h_hbm.at[srcv.at[j]], buf, sem)

    def gwait(j, buf, sem):
        pltpu.make_async_copy(h_hbm.at[srcv.at[j]], buf, sem).wait()

    def sstart(j, buf, sem):
        pltpu.async_copy(buf, shared_out.at[dstv.at[j]], sem, add=True)

    def swait(j, buf, sem):
        pltpu.make_async_copy(buf, shared_out.at[dstv.at[j]], sem).wait()

    @pl.loop(0, NCH)
    def _(g):
        pltpu.sync_copy(h_hbm.at[srcv.at[g]], hbuf)
        scale(hbuf, g)
        pltpu.sync_copy(hbuf, shared_out.at[dstv.at[g]], add=True)

    plsc.subcore_barrier()

    pltpu.sync_copy(shared_out.at[pl.ds(sid * RPT, RPT)],
                    p_hbm.at[pl.ds(cid * NPAD + sid * RPT, RPT)])


def _sc_edge(src3, dst3, att, h):
    mesh = plsc.VectorSubcoreMesh(core_axis_name="c", subcore_axis_name="s")
    cp = pltpu.CompilerParams()
    if "needs_layout_passes" in pltpu.CompilerParams.__dataclass_fields__:
        cp = dataclasses.replace(cp, needs_layout_passes=False)
    if "use_tc_tiling_on_sc" in pltpu.CompilerParams.__dataclass_fields__:
        cp = dataclasses.replace(cp, use_tc_tiling_on_sc=False)
    kern = pl.kernel(
        _sc_edge_body,
        mesh=mesh,
        out_type=[
            jax.ShapeDtypeStruct((NCORES * NPAD, HP), jnp.float32),
            jax.ShapeDtypeStruct((NW * N,), jnp.float32),
        ],
        scratch_types=[
            pltpu.VMEM((NCH, CHUNK), jnp.int32),
            pltpu.VMEM((NCH, CHUNK), jnp.int32),
            pltpu.VMEM((N,), jnp.float32),
            pltpu.VMEM((N,), jnp.float32),
            pltpu.VMEM((NCH, CHUNK), jnp.float32),
            pltpu.VMEM((N,), jnp.float32),
            pltpu.VMEM((CHUNK, HP), jnp.float32),
            pltpu.VMEM((LANES,), jnp.float32),
            pltpu.SemaphoreType.DMA,
            pltpu.SemaphoreType.DMA,
            pltpu.SemaphoreType.DMA,
            pltpu.SemaphoreType.DMA,
            pltpu.VMEM_SHARED((NPAD, HP), jnp.float32),
        ],
        compiler_params=cp,
    )
    p, dpart = kern(src3, dst3, att.reshape(2 * N), h)
    return p, dpart.reshape(NW, N)



def kernel(x, edge_index, batch, W1, att_src1, att_dst1, b1,
           W2, att_src2, att_dst2, b2, W_lin, b_lin, W_cls, b_cls):
    n = x.shape[0]
    loop = jnp.arange(n, dtype=edge_index.dtype)
    src = jnp.concatenate([edge_index[0], loop])
    dst = jnp.concatenate([edge_index[1], loop])
    pad = EPAD - E_REAL
    src3 = jnp.pad(src, (0, pad)).reshape(NW, NCH, CHUNK)
    dst3 = jnp.pad(dst, (0, pad)).reshape(NW, NCH, CHUNK)

    h1, att1 = _tc_pre(x, W1, att_src1, att_dst1)
    p1, d1 = _sc_edge(src3, dst3, att1, h1)
    h2, att2 = _tc_mid(p1, d1, b1, W2, att_src2, att_dst2)
    p2, d2 = _sc_edge(src3, dst3, att2, h2)
    return _tc_head(p2, d2, b2, batch, W_lin, b_lin, W_cls, b_cls)

# --- scband reference (transcript-rebuilt; emitter-appended) ---
"""Pipeline reference for scband-model-name-13400297963844 (READ-ONLY COPY).

The authoritative reference and input builder live on the scoring server;
editing this copy changes nothing except your own understanding.
"""

import jax, jax.numpy as jnp
import numpy as np

N = 10000
E = 320000
D = 128
H = 64
G = 64
NC = 10


def _segment_softmax(logits, seg, num_segments):
    m = jax.ops.segment_max(logits, seg, num_segments=num_segments)
    m = jnp.where(jnp.isfinite(m), m, 0.0)
    ex = jnp.exp(logits - m[seg])
    denom = jax.ops.segment_sum(ex, seg, num_segments=num_segments)
    return ex / (denom[seg] + 1e-16)


def _gat_conv(x, W, att_s, att_d, b, src, dst, n):
    # PyG-style GATConv (heads=1): linear transform, per-edge additive attention,
    # leaky_relu(0.2), softmax over incoming edges (grouped by dst), weighted scatter-add.
    h = x @ W
    a_s = (h * att_s).sum(axis=-1)
    a_d = (h * att_d).sum(axis=-1)
    e = jax.nn.leaky_relu(a_s[src] + a_d[dst], negative_slope=0.2)
    alpha = _segment_softmax(e, dst, n)
    out = jax.ops.segment_sum(h[src] * alpha[:, None], dst, num_segments=n)
    return out + b


def setup_inputs(seed: int = 0):
    key = jax.random.key(seed)
    ks = jax.random.split(key, 16)
    x = jax.random.normal(ks[0], (N, D), dtype=jnp.float32)
    edge_index = jax.random.randint(ks[1], (2, E), 0, N, dtype=jnp.int32)
    batch = jnp.sort(jax.random.randint(ks[2], (N,), 0, G, dtype=jnp.int32))
    s = lambda k, shp, fan: (jax.random.normal(k, shp, dtype=jnp.float32) / np.sqrt(fan)).astype(jnp.float32)
    return {
        "x": x, "edge_index": edge_index, "batch": batch,
        "W1": s(ks[3], (D, H), D), "att_src1": s(ks[4], (H,), H), "att_dst1": s(ks[5], (H,), H), "b1": jnp.zeros((H,), jnp.float32),
        "W2": s(ks[6], (H, H), H), "att_src2": s(ks[7], (H,), H), "att_dst2": s(ks[8], (H,), H), "b2": jnp.zeros((H,), jnp.float32),
        "W_lin": s(ks[9], (H, H // 2), H), "b_lin": jnp.zeros((H // 2,), jnp.float32),
        "W_cls": s(ks[10], (H // 2, NC), H // 2), "b_cls": jnp.zeros((NC,), jnp.float32),
    }


def reference(x, edge_index, batch, W1, att_src1, att_dst1, b1, W2, att_src2, att_dst2, b2, W_lin, b_lin, W_cls, b_cls):
    n = x.shape[0]
    loop = jnp.arange(n, dtype=edge_index.dtype)
    src = jnp.concatenate([edge_index[0], loop])  # add self-loops as GATConv does
    dst = jnp.concatenate([edge_index[1], loop])
    h = _gat_conv(x, W1, att_src1, att_dst1, b1, src, dst, n)
    h = jax.nn.relu(h)  # relu between conv layers only
    h = _gat_conv(h, W2, att_src2, att_dst2, b2, src, dst, n)
    # global_mean_pool over batch ids
    counts = jax.ops.segment_sum(jnp.ones((n,), jnp.float32), batch, num_segments=G)
    pooled = jax.ops.segment_sum(h, batch, num_segments=G) / jnp.maximum(counts, 1.0)[:, None]
    # dropout p=0 in eval -> identity
    z = jax.nn.relu(pooled @ W_lin + b_lin)
    logits = z @ W_cls + b_cls
    # ssl_flag=False -> deg_pred is the constant 0; return the log-softmax head
    return jax.nn.log_softmax(logits, axis=1)

if __name__ == "__main__":
    import jax
    _d = setup_inputs()
    print(jax.jit(kernel)(*tuple(_d.values())))

</pallas_src>

<mosaic_0001>
#map = affine_map<(d0, d1) -> (0, 0, 0)>
#map1 = affine_map<(d0, d1) -> (0)>
#map2 = affine_map<(d0, d1) -> (0, 0)>
module attributes {stable_mosaic.version = 14 : i64} {
  func.func @_sc_edge_body(%arg0: i32, %arg1: i32, %arg2: memref<32x42x256xi32, #tpu.memory_space<hbm>>, %arg3: memref<32x42x256xi32, #tpu.memory_space<hbm>>, %arg4: memref<20000xf32, #tpu.memory_space<hbm>>, %arg5: memref<10240x64xf32, #tpu.memory_space<hbm>>, %arg6: memref<20480x64xf32, #tpu.memory_space<hbm>>, %arg7: memref<320000xf32, #tpu.memory_space<hbm>>, %arg8: memref<42x256xi32, #tpu.memory_space<vmem>>, %arg9: memref<42x256xi32, #tpu.memory_space<vmem>>, %arg10: memref<10000xf32, #tpu.memory_space<vmem>>, %arg11: memref<10000xf32, #tpu.memory_space<vmem>>, %arg12: memref<42x256xf32, #tpu.memory_space<vmem>>, %arg13: memref<10000xf32, #tpu.memory_space<vmem>>, %arg14: memref<256x64xf32, #tpu.memory_space<vmem>>, %arg15: memref<16xf32, #tpu.memory_space<vmem>>, %arg16: memref<!tpu.dma_semaphore, #tpu.memory_space<semaphore_mem>>, %arg17: memref<!tpu.dma_semaphore, #tpu.memory_space<semaphore_mem>>, %arg18: memref<!tpu.dma_semaphore, #tpu.memory_space<semaphore_mem>>, %arg19: memref<!tpu.dma_semaphore, #tpu.memory_space<semaphore_mem>>, %arg20: memref<10240x64xf32, #tpu.memory_space<vmem_shared>>) attributes {dimension_semantics = [#tpu.dimension_semantics<core_parallel>, #tpu.dimension_semantics<subcore_parallel>], iteration_bounds = array<i64: 2, 16>, scalar_prefetch = 0 : i64, scratch_operands = 13 : i64, tpu.core_type = #tpu.core_type<sc_vector_subcore>, window_params = [{transform_indices = #map}, {transform_indices = #map}, {transform_indices = #map1}, {transform_indices = #map2}, {transform_indices = #map2}, {transform_indices = #map1}]} {
    %mul3A = arith.constant 16 : i32
    %mul3A_0 = arith.muli %arg0, %mul3A : i32
    %add3A = arith.addi %mul3A_0, %arg1 : i32
    "tpu.region"() ({
      %run_scoped3A = tpu.sem_alloc : memref<!tpu.dma_semaphore, #tpu.memory_space<semaphore_mem>>
      %dma_start3A = arith.constant 0 : i32
      %dma_start3A_84 = arith.constant 0 : i32
      %dma_start3A_85 = tpu.memref_slice %arg2[%add3A, %dma_start3A, %dma_start3A_84] : memref<32x42x256xi32, #tpu.memory_space<hbm>> -> memref<1x42x256xi32, #tpu.memory_space<hbm>>
      %dma_start3A_86 = tpu.memref_squeeze %dma_start3A_85 : memref<1x42x256xi32, #tpu.memory_space<hbm>> -> memref<42x256xi32, #tpu.memory_space<hbm>>
      %dma_start3A_87 = arith.constant 0 : i32
      %dma_start3A_88 = arith.constant 0 : i32
      %dma_start3A_89 = tpu.memref_slice %arg2[%add3A, %dma_start3A_87, %dma_start3A_88] : memref<32x42x256xi32, #tpu.memory_space<hbm>> -> memref<1x42x256xi32, #tpu.memory_space<hbm>>
      %dma_start3A_90 = tpu.memref_squeeze %dma_start3A_89 : memref<1x42x256xi32, #tpu.memory_space<hbm>> -> memref<42x256xi32, #tpu.memory_space<hbm>>
      tpu.enqueue_dma source(%dma_start3A_90 : memref<42x256xi32, #tpu.memory_space<hbm>>) target(%arg8 : memref<42x256xi32, #tpu.memory_space<vmem>>) target_semaphore(%run_scoped3A : memref<!tpu.dma_semaphore, #tpu.memory_space<semaphore_mem>>)
      %dma_wait3A = arith.constant 0 : i32
      %dma_wait3A_91 = arith.constant 0 : i32
      %dma_wait3A_92 = tpu.memref_slice %arg2[%add3A, %dma_wait3A, %dma_wait3A_91] : memref<32x42x256xi32, #tpu.memory_space<hbm>> -> memref<1x42x256xi32, #tpu.memory_space<hbm>>
      %dma_wait3A_93 = tpu.memref_squeeze %dma_wait3A_92 : memref<1x42x256xi32, #tpu.memory_space<hbm>> -> memref<42x256xi32, #tpu.memory_space<hbm>>
      %dma_wait3A_94 = arith.constant 0 : i32
      %dma_wait3A_95 = arith.constant 0 : i32
      %dma_wait3A_96 = tpu.memref_slice %arg2[%add3A, %dma_wait3A_94, %dma_wait3A_95] : memref<32x42x256xi32, #tpu.memory_space<hbm>> -> memref<1x42x256xi32, #tpu.memory_space<hbm>>
      %dma_wait3A_97 = tpu.memref_squeeze %dma_wait3A_96 : memref<1x42x256xi32, #tpu.memory_space<hbm>> -> memref<42x256xi32, #tpu.memory_space<hbm>>
      tpu.wait_dma2 semaphore(%run_scoped3A : memref<!tpu.dma_semaphore, #tpu.memory_space<semaphore_mem>>) src(%dma_wait3A_97 : memref<42x256xi32, #tpu.memory_space<hbm>>) dst(%arg8 : memref<42x256xi32, #tpu.memory_space<vmem>>)
      tpu.yield
    }) : () -> ()
    "tpu.region"() ({
      %run_scoped3A = tpu.sem_alloc : memref<!tpu.dma_semaphore, #tpu.memory_space<semaphore_mem>>
      %dma_start3A = arith.constant 0 : i32
      %dma_start3A_84 = arith.constant 0 : i32
      %dma_start3A_85 = tpu.memref_slice %arg3[%add3A, %dma_start3A, %dma_start3A_84] : memref<32x42x256xi32, #tpu.memory_space<hbm>> -> memref<1x42x256xi32, #tpu.memory_space<hbm>>
      %dma_start3A_86 = tpu.memref_squeeze %dma_start3A_85 : memref<1x42x256xi32, #tpu.memory_space<hbm>> -> memref<42x256xi32, #tpu.memory_space<hbm>>
      %dma_start3A_87 = arith.constant 0 : i32
      %dma_start3A_88 = arith.constant 0 : i32
      %dma_start3A_89 = tpu.memref_slice %arg3[%add3A, %dma_start3A_87, %dma_start3A_88] : memref<32x42x256xi32, #tpu.memory_space<hbm>> -> memref<1x42x256xi32, #tpu.memory_space<hbm>>
      %dma_start3A_90 = tpu.memref_squeeze %dma_start3A_89 : memref<1x42x256xi32, #tpu.memory_space<hbm>> -> memref<42x256xi32, #tpu.memory_space<hbm>>
      tpu.enqueue_dma source(%dma_start3A_90 : memref<42x256xi32, #tpu.memory_space<hbm>>) target(%arg9 : memref<42x256xi32, #tpu.memory_space<vmem>>) target_semaphore(%run_scoped3A : memref<!tpu.dma_semaphore, #tpu.memory_space<semaphore_mem>>)
      %dma_wait3A = arith.constant 0 : i32
      %dma_wait3A_91 = arith.constant 0 : i32
      %dma_wait3A_92 = tpu.memref_slice %arg3[%add3A, %dma_wait3A, %dma_wait3A_91] : memref<32x42x256xi32, #tpu.memory_space<hbm>> -> memref<1x42x256xi32, #tpu.memory_space<hbm>>
      %dma_wait3A_93 = tpu.memref_squeeze %dma_wait3A_92 : memref<1x42x256xi32, #tpu.memory_space<hbm>> -> memref<42x256xi32, #tpu.memory_space<hbm>>
      %dma_wait3A_94 = arith.constant 0 : i32
      %dma_wait3A_95 = arith.constant 0 : i32
      %dma_wait3A_96 = tpu.memref_slice %arg3[%add3A, %dma_wait3A_94, %dma_wait3A_95] : memref<32x42x256xi32, #tpu.memory_space<hbm>> -> memref<1x42x256xi32, #tpu.memory_space<hbm>>
      %dma_wait3A_97 = tpu.memref_squeeze %dma_wait3A_96 : memref<1x42x256xi32, #tpu.memory_space<hbm>> -> memref<42x256xi32, #tpu.memory_space<hbm>>
      tpu.wait_dma2 semaphore(%run_scoped3A : memref<!tpu.dma_semaphore, #tpu.memory_space<semaphore_mem>>) src(%dma_wait3A_97 : memref<42x256xi32, #tpu.memory_space<hbm>>) dst(%arg9 : memref<42x256xi32, #tpu.memory_space<vmem>>)
      tpu.yield
    }) : () -> ()
    "tpu.region"() ({
      %run_scoped3A = tpu.sem_alloc : memref<!tpu.dma_semaphore, #tpu.memory_space<semaphore_mem>>
      %dma_start3A = arith.constant 0 : i32
      %dma_start3A_84 = tpu.memref_slice %arg4[%dma_start3A] : memref<20000xf32, #tpu.memory_space<hbm>> -> memref<10000xf32, #tpu.memory_space<hbm>>
      %dma_start3A_85 = arith.constant 0 : i32
      %dma_start3A_86 = tpu.memref_slice %arg4[%dma_start3A_85] : memref<20000xf32, #tpu.memory_space<hbm>> -> memref<10000xf32, #tpu.memory_space<hbm>>
      tpu.enqueue_dma source(%dma_start3A_86 : memref<10000xf32, #tpu.memory_space<hbm>>) target(%arg10 : memref<10000xf32, #tpu.memory_space<vmem>>) target_semaphore(%run_scoped3A : memref<!tpu.dma_semaphore, #tpu.memory_space<semaphore_mem>>)
      %dma_wait3A = arith.constant 0 : i32
      %dma_wait3A_87 = tpu.memref_slice %arg4[%dma_wait3A] : memref<20000xf32, #tpu.memory_space<hbm>> -> memref<10000xf32, #tpu.memory_space<hbm>>
      %dma_wait3A_88 = arith.constant 0 : i32
      %dma_wait3A_89 = tpu.memref_slice %arg4[%dma_wait3A_88] : memref<20000xf32, #tpu.memory_space<hbm>> -> memref<10000xf32, #tpu.memory_space<hbm>>
      tpu.wait_dma2 semaphore(%run_scoped3A : memref<!tpu.dma_semaphore, #tpu.memory_space<semaphore_mem>>) src(%dma_wait3A_89 : memref<10000xf32, #tpu.memory_space<hbm>>) dst(%arg10 : memref<10000xf32, #tpu.memory_space<vmem>>)
      tpu.yield
    }) : () -> ()
    "tpu.region"() ({
      %run_scoped3A = tpu.sem_alloc : memref<!tpu.dma_semaphore, #tpu.memory_space<semaphore_mem>>
      %dma_start3A = arith.constant 10000 : i32
      %dma_start3A_84 = tpu.memref_slice %arg4[%dma_start3A] : memref<20000xf32, #tpu.memory_space<hbm>> -> memref<10000xf32, #tpu.memory_space<hbm>>
      %dma_start3A_85 = arith.constant 10000 : i32
      %dma_start3A_86 = tpu.memref_slice %arg4[%dma_start3A_85] : memref<20000xf32, #tpu.memory_space<hbm>> -> memref<10000xf32, #tpu.memory_space<hbm>>
      tpu.enqueue_dma source(%dma_start3A_86 : memref<10000xf32, #tpu.memory_space<hbm>>) target(%arg11 : memref<10000xf32, #tpu.memory_space<vmem>>) target_semaphore(%run_scoped3A : memref<!tpu.dma_semaphore, #tpu.memory_space<semaphore_mem>>)
      %dma_wait3A = arith.constant 10000 : i32
      %dma_wait3A_87 = tpu.memref_slice %arg4[%dma_wait3A] : memref<20000xf32, #tpu.memory_space<hbm>> -> memref<10000xf32, #tpu.memory_space<hbm>>
      %dma_wait3A_88 = arith.constant 10000 : i32
      %dma_wait3A_89 = tpu.memref_slice %arg4[%dma_wait3A_88] : memref<20000xf32, #tpu.memory_space<hbm>> -> memref<10000xf32, #tpu.memory_space<hbm>>
      tpu.wait_dma2 semaphore(%run_scoped3A : memref<!tpu.dma_semaphore, #tpu.memory_space<semaphore_mem>>) src(%dma_wait3A_89 : memref<10000xf32, #tpu.memory_space<hbm>>) dst(%arg11 : memref<10000xf32, #tpu.memory_space<vmem>>)
      tpu.yield
    }) : () -> ()
    %broadcast_in_dim3A = arith.constant 0.000000e+00 : f32
    %broadcast_in_dim3A_1 = vector.broadcast %broadcast_in_dim3A : f32 to vector<16xf32>
    %broadcast_in_dim3A_2 = arith.constant 0.000000e+00 : f32
    %broadcast_in_dim3A_3 = vector.broadcast %broadcast_in_dim3A_2 : f32 to vector<1x16xf32>
    %scan3A = arith.constant 0 : i32
    %scan3A_4 = arith.constant 625 : i32
    %scan3A_5 = arith.addi %scan3A, %scan3A_4 : i32
    %scan3A_6 = arith.constant 1 : i32
    scf.for %scan3A_84 = %scan3A to %scan3A_5 step %scan3A_6  : i32 {
      %mul3A_85 = arith.constant 16 : i32
      %mul3A_86 = arith.muli %scan3A_84, %mul3A_85 : i32
      %add3A_87 = arith.constant 0 : i32
      %add3A_88 = arith.addi %add3A_87, %mul3A_86 : i32
      %swap3A_89 = arith.index_cast %add3A_88 : i32 to index
      %swap3A_90 = tpu.vector_load %arg13[%swap3A_89] {strides = array<i32>} : memref<10000xf32, #tpu.memory_space<vmem>>, vector<16xf32>,
      tpu.vector_store %arg13[%swap3A_89], %broadcast_in_dim3A_1 {strides = array<i32>} : memref<10000xf32, #tpu.memory_space<vmem>>, vector<16xf32>,
    }
    %scan3A_7 = arith.constant 625 : i32
    %scan3A_8 = arith.constant 0 : i32
    %scan3A_9 = arith.constant 256 : i32
    %scan3A_10 = arith.addi %scan3A_8, %scan3A_9 : i32
    %scan3A_11 = arith.constant 1 : i32
    scf.for %scan3A_84 = %scan3A_8 to %scan3A_10 step %scan3A_11  : i32 {
      %mul3A_85 = arith.constant 1 : i32
      %mul3A_86 = arith.muli %scan3A_84, %mul3A_85 : i32
      %add3A_87 = arith.constant 0 : i32
      %add3A_88 = arith.addi %add3A_87, %mul3A_86 : i32
      %swap3A_89 = arith.index_cast %add3A_88 : i32 to index
      %swap3A_90 = arith.constant 0 : index
      %swap3A_91 = tpu.vector_load %arg14[%swap3A_89, %swap3A_90] {strides = array<i32>} : memref<256x64xf32, #tpu.memory_space<vmem>>, vector<16xf32>,
      tpu.vector_store %arg14[%swap3A_89, %swap3A_90], %broadcast_in_dim3A_1 {strides = array<i32>} : memref<256x64xf32, #tpu.memory_space<vmem>>, vector<16xf32>,
      %swap3A_92 = arith.index_cast %add3A_88 : i32 to index
      %swap3A_93 = arith.constant 16 : index
      %swap3A_94 = tpu.vector_load %arg14[%swap3A_92, %swap3A_93] {strides = array<i32>} : memref<256x64xf32, #tpu.memory_space<vmem>>, vector<16xf32>,
      tpu.vector_store %arg14[%swap3A_92, %swap3A_93], %broadcast_in_dim3A_1 {strides = array<i32>} : memref<256x64xf32, #tpu.memory_space<vmem>>, vector<16xf32>,
      %swap3A_95 = arith.index_cast %add3A_88 : i32 to index
      %swap3A_96 = arith.constant 32 : index
      %swap3A_97 = tpu.vector_load %arg14[%swap3A_95, %swap3A_96] {strides = array<i32>} : memref<256x64xf32, #tpu.memory_space<vmem>>, vector<16xf32>,
      tpu.vector_store %arg14[%swap3A_95, %swap3A_96], %broadcast_in_dim3A_1 {strides = array<i32>} : memref<256x64xf32, #tpu.memory_space<vmem>>, vector<16xf32>,
      %swap3A_98 = arith.index_cast %add3A_88 : i32 to index
      %swap3A_99 = arith.constant 48 : index
      %swap3A_100 = tpu.vector_load %arg14[%swap3A_98, %swap3A_99] {strides = array<i32>} : memref<256x64xf32, #tpu.memory_space<vmem>>, vector<16xf32>,
      tpu.vector_store %arg14[%swap3A_98, %swap3A_99], %broadcast_in_dim3A_1 {strides = array<i32>} : memref<256x64xf32, #tpu.memory_space<vmem>>, vector<16xf32>,
    }
    %scan3A_12 = arith.constant 256 : i32
    %mul3A_13 = arith.constant 640 : i32
    %mul3A_14 = arith.muli %arg1, %mul3A_13 : i32
    %add3A_15 = arith.constant 0 : i32
    %add3A_16 = arith.addi %mul3A_14, %add3A_15 : i32
    "tpu.region"() ({
      %run_scoped3A = tpu.sem_alloc : memref<!tpu.dma_semaphore, #tpu.memory_space<semaphore_mem>>
      %dma_start3A = arith.constant 0 : i32
      %dma_start3A_84 = arith.constant 0 : i32
      %dma_start3A_85 = tpu.memref_slice %arg14[%dma_start3A, %dma_start3A_84] : memref<256x64xf32, #tpu.memory_space<vmem>> -> memref<128x64xf32, #tpu.memory_space<vmem>>
      %dma_start3A_86 = arith.constant 0 : i32
      %dma_start3A_87 = tpu.memref_slice %arg20[%add3A_16, %dma_start3A_86] : memref<10240x64xf32, #tpu.memory_space<vmem_shared>> -> memref<128x64xf32, #tpu.memory_space<vmem_shared>>
      %dma_start3A_88 = arith.constant 0 : i32
      %dma_start3A_89 = tpu.memref_slice %arg20[%add3A_16, %dma_start3A_88] : memref<10240x64xf32, #tpu.memory_space<vmem_shared>> -> memref<128x64xf32, #tpu.memory_space<vmem_shared>>
      %dma_start3A_90 = arith.constant 0 : i32
      %dma_start3A_91 = arith.constant 0 : i32
      %dma_start3A_92 = tpu.memref_slice %arg14[%dma_start3A_90, %dma_start3A_91] : memref<256x64xf32, #tpu.memory_space<vmem>> -> memref<128x64xf32, #tpu.memory_space<vmem>>
      tpu.enqueue_dma source(%dma_start3A_92 : memref<128x64xf32, #tpu.memory_space<vmem>>) target(%dma_start3A_89 : memref<128x64xf32, #tpu.memory_space<vmem_shared>>) target_semaphore(%run_scoped3A : memref<!tpu.dma_semaphore, #tpu.memory_space<semaphore_mem>>)
      %dma_wait3A = arith.constant 0 : i32
      %dma_wait3A_93 = arith.constant 0 : i32
      %dma_wait3A_94 = tpu.memref_slice %arg14[%dma_wait3A, %dma_wait3A_93] : memref<256x64xf32, #tpu.memory_space<vmem>> -> memref<128x64xf32, #tpu.memory_space<vmem>>
      %dma_wait3A_95 = arith.constant 0 : i32
      %dma_wait3A_96 = tpu.memref_slice %arg20[%add3A_16, %dma_wait3A_95] : memref<10240x64xf32, #tpu.memory_space<vmem_shared>> -> memref<128x64xf32, #tpu.memory_space<vmem_shared>>
      %dma_wait3A_97 = arith.constant 0 : i32
      %dma_wait3A_98 = tpu.memref_slice %arg20[%add3A_16, %dma_wait3A_97] : memref<10240x64xf32, #tpu.memory_space<vmem_shared>> -> memref<128x64xf32, #tpu.memory_space<vmem_shared>>
      %dma_wait3A_99 = arith.constant 0 : i32
      %dma_wait3A_100 = arith.constant 0 : i32
      %dma_wait3A_101 = tpu.memref_slice %arg14[%dma_wait3A_99, %dma_wait3A_100] : memref<256x64xf32, #tpu.memory_space<vmem>> -> memref<128x64xf32, #tpu.memory_space<vmem>>
      tpu.wait_dma2 semaphore(%run_scoped3A : memref<!tpu.dma_semaphore, #tpu.memory_space<semaphore_mem>>) src(%dma_wait3A_101 : memref<128x64xf32, #tpu.memory_space<vmem>>) dst(%dma_wait3A_98 : memref<128x64xf32, #tpu.memory_space<vmem_shared>>)
      tpu.yield
    }) : () -> ()
    %mul3A_17 = arith.constant 640 : i32
    %mul3A_18 = arith.muli %arg1, %mul3A_17 : i32
    %add3A_19 = arith.constant 128 : i32
    %add3A_20 = arith.addi %mul3A_18, %add3A_19 : i32
    "tpu.region"() ({
      %run_scoped3A = tpu.sem_alloc : memref<!tpu.dma_semaphore, #tpu.memory_space<semaphore_mem>>
      %dma_start3A = arith.constant 0 : i32
      %dma_start3A_84 = arith.constant 0 : i32
      %dma_start3A_85 = tpu.memref_slice %arg14[%dma_start3A, %dma_start3A_84] : memref<256x64xf32, #tpu.memory_space<vmem>> -> memref<128x64xf32, #tpu.memory_space<vmem>>
      %dma_start3A_86 = arith.constant 0 : i32
      %dma_start3A_87 = tpu.memref_slice %arg20[%add3A_20, %dma_start3A_86] : memref<10240x64xf32, #tpu.memory_space<vmem_shared>> -> memref<128x64xf32, #tpu.memory_space<vmem_shared>>
      %dma_start3A_88 = arith.constant 0 : i32
      %dma_start3A_89 = tpu.memref_slice %arg20[%add3A_20, %dma_start3A_88] : memref<10240x64xf32, #tpu.memory_space<vmem_shared>> -> memref<128x64xf32, #tpu.memory_space<vmem_shared>>
      %dma_start3A_90 = arith.constant 0 : i32
      %dma_start3A_91 = arith.constant 0 : i32
      %dma_start3A_92 = tpu.memref_slice %arg14[%dma_start3A_90, %dma_start3A_91] : memref<256x64xf32, #tpu.memory_space<vmem>> -> memref<128x64xf32, #tpu.memory_space<vmem>>
      tpu.enqueue_dma source(%dma_start3A_92 : memref<128x64xf32, #tpu.memory_space<vmem>>) target(%dma_start3A_89 : memref<128x64xf32, #tpu.memory_space<vmem_shared>>) target_semaphore(%run_scoped3A : memref<!tpu.dma_semaphore, #tpu.memory_space<semaphore_mem>>)
      %dma_wait3A = arith.constant 0 : i32
      %dma_wait3A_93 = arith.constant 0 : i32
      %dma_wait3A_94 = tpu.memref_slice %arg14[%dma_wait3A, %dma_wait3A_93] : memref<256x64xf32, #tpu.memory_space<vmem>> -> memref<128x64xf32, #tpu.memory_space<vmem>>
      %dma_wait3A_95 = arith.constant 0 : i32
      %dma_wait3A_96 = tpu.memref_slice %arg20[%add3A_20, %dma_wait3A_95] : memref<10240x64xf32, #tpu.memory_space<vmem_shared>> -> memref<128x64xf32, #tpu.memory_space<vmem_shared>>
      %dma_wait3A_97 = arith.constant 0 : i32
      %dma_wait3A_98 = tpu.memref_slice %arg20[%add3A_20, %dma_wait3A_97] : memref<10240x64xf32, #tpu.memory_space<vmem_shared>> -> memref<128x64xf32, #tpu.memory_space<vmem_shared>>
      %dma_wait3A_99 = arith.constant 0 : i32
      %dma_wait3A_100 = arith.constant 0 : i32
      %dma_wait3A_101 = tpu.memref_slice %arg14[%dma_wait3A_99, %dma_wait3A_100] : memref<256x64xf32, #tpu.memory_space<vmem>> -> memref<128x64xf32, #tpu.memory_space<vmem>>
      tpu.wait_dma2 semaphore(%run_scoped3A : memref<!tpu.dma_semaphore, #tpu.memory_space<semaphore_mem>>) src(%dma_wait3A_101 : memref<128x64xf32, #tpu.memory_space<vmem>>) dst(%dma_wait3A_98 : memref<128x64xf32, #tpu.memory_space<vmem_shared>>)
      tpu.yield
    }) : () -> ()
    %mul3A_21 = arith.constant 640 : i32
    %mul3A_22 = arith.muli %arg1, %mul3A_21 : i32
    %add3A_23 = arith.constant 256 : i32
    %add3A_24 = arith.addi %mul3A_22, %add3A_23 : i32
    "tpu.region"() ({
      %run_scoped3A = tpu.sem_alloc : memref<!tpu.dma_semaphore, #tpu.memory_space<semaphore_mem>>
      %dma_start3A = arith.constant 0 : i32
      %dma_start3A_84 = arith.constant 0 : i32
      %dma_start3A_85 = tpu.memref_slice %arg14[%dma_start3A, %dma_start3A_84] : memref<256x64xf32, #tpu.memory_space<vmem>> -> memref<128x64xf32, #tpu.memory_space<vmem>>
      %dma_start3A_86 = arith.constant 0 : i32
      %dma_start3A_87 = tpu.memref_slice %arg20[%add3A_24, %dma_start3A_86] : memref<10240x64xf32, #tpu.memory_space<vmem_shared>> -> memref<128x64xf32, #tpu.memory_space<vmem_shared>>
      %dma_start3A_88 = arith.constant 0 : i32
      %dma_start3A_89 = tpu.memref_slice %arg20[%add3A_24, %dma_start3A_88] : memref<10240x64xf32, #tpu.memory_space<vmem_shared>> -> memref<128x64xf32, #tpu.memory_space<vmem_shared>>
      %dma_start3A_90 = arith.constant 0 : i32
      %dma_start3A_91 = arith.constant 0 : i32
      %dma_start3A_92 = tpu.memref_slice %arg14[%dma_start3A_90, %dma_start3A_91] : memref<256x64xf32, #tpu.memory_space<vmem>> -> memref<128x64xf32, #tpu.memory_space<vmem>>
      tpu.enqueue_dma source(%dma_start3A_92 : memref<128x64xf32, #tpu.memory_space<vmem>>) target(%dma_start3A_89 : memref<128x64xf32, #tpu.memory_space<vmem_shared>>) target_semaphore(%run_scoped3A : memref<!tpu.dma_semaphore, #tpu.memory_space<semaphore_mem>>)
      %dma_wait3A = arith.constant 0 : i32
      %dma_wait3A_93 = arith.constant 0 : i32
      %dma_wait3A_94 = tpu.memref_slice %arg14[%dma_wait3A, %dma_wait3A_93] : memref<256x64xf32, #tpu.memory_space<vmem>> -> memref<128x64xf32, #tpu.memory_space<vmem>>
      %dma_wait3A_95 = arith.constant 0 : i32
      %dma_wait3A_96 = tpu.memref_slice %arg20[%add3A_24, %dma_wait3A_95] : memref<10240x64xf32, #tpu.memory_space<vmem_shared>> -> memref<128x64xf32, #tpu.memory_space<vmem_shared>>
      %dma_wait3A_97 = arith.constant 0 : i32
      %dma_wait3A_98 = tpu.memref_slice %arg20[%add3A_24, %dma_wait3A_97] : memref<10240x64xf32, #tpu.memory_space<vmem_shared>> -> memref<128x64xf32, #tpu.memory_space<vmem_shared>>
      %dma_wait3A_99 = arith.constant 0 : i32
      %dma_wait3A_100 = arith.constant 0 : i32
      %dma_wait3A_101 = tpu.memref_slice %arg14[%dma_wait3A_99, %dma_wait3A_100] : memref<256x64xf32, #tpu.memory_space<vmem>> -> memref<128x64xf32, #tpu.memory_space<vmem>>
      tpu.wait_dma2 semaphore(%run_scoped3A : memref<!tpu.dma_semaphore, #tpu.memory_space<semaphore_mem>>) src(%dma_wait3A_101 : memref<128x64xf32, #tpu.memory_space<vmem>>) dst(%dma_wait3A_98 : memref<128x64xf32, #tpu.memory_space<vmem_shared>>)
      tpu.yield
    }) : () -> ()
    %mul3A_25 = arith.constant 640 : i32
    %mul3A_26 = arith.muli %arg1, %mul3A_25 : i32
    %add3A_27 = arith.constant 384 : i32
    %add3A_28 = arith.addi %mul3A_26, %add3A_27 : i32
    "tpu.region"() ({
      %run_scoped3A = tpu.sem_alloc : memref<!tpu.dma_semaphore, #tpu.memory_space<semaphore_mem>>
      %dma_start3A = arith.constant 0 : i32
      %dma_start3A_84 = arith.constant 0 : i32
      %dma_start3A_85 = tpu.memref_slice %arg14[%dma_start3A, %dma_start3A_84] : memref<256x64xf32, #tpu.memory_space<vmem>> -> memref<128x64xf32, #tpu.memory_space<vmem>>
      %dma_start3A_86 = arith.constant 0 : i32
      %dma_start3A_87 = tpu.memref_slice %arg20[%add3A_28, %dma_start3A_86] : memref<10240x64xf32, #tpu.memory_space<vmem_shared>> -> memref<128x64xf32, #tpu.memory_space<vmem_shared>>
      %dma_start3A_88 = arith.constant 0 : i32
      %dma_start3A_89 = tpu.memref_slice %arg20[%add3A_28, %dma_start3A_88] : memref<10240x64xf32, #tpu.memory_space<vmem_shared>> -> memref<128x64xf32, #tpu.memory_space<vmem_shared>>
      %dma_start3A_90 = arith.constant 0 : i32
      %dma_start3A_91 = arith.constant 0 : i32
      %dma_start3A_92 = tpu.memref_slice %arg14[%dma_start3A_90, %dma_start3A_91] : memref<256x64xf32, #tpu.memory_space<vmem>> -> memref<128x64xf32, #tpu.memory_space<vmem>>
      tpu.enqueue_dma source(%dma_start3A_92 : memref<128x64xf32, #tpu.memory_space<vmem>>) target(%dma_start3A_89 : memref<128x64xf32, #tpu.memory_space<vmem_shared>>) target_semaphore(%run_scoped3A : memref<!tpu.dma_semaphore, #tpu.memory_space<semaphore_mem>>)
      %dma_wait3A = arith.constant 0 : i32
      %dma_wait3A_93 = arith.constant 0 : i32
      %dma_wait3A_94 = tpu.memref_slice %arg14[%dma_wait3A, %dma_wait3A_93] : memref<256x64xf32, #tpu.memory_space<vmem>> -> memref<128x64xf32, #tpu.memory_space<vmem>>
      %dma_wait3A_95 = arith.constant 0 : i32
      %dma_wait3A_96 = tpu.memref_slice %arg20[%add3A_28, %dma_wait3A_95] : memref<10240x64xf32, #tpu.memory_space<vmem_shared>> -> memref<128x64xf32, #tpu.memory_space<vmem_shared>>
      %dma_wait3A_97 = arith.constant 0 : i32
      %dma_wait3A_98 = tpu.memref_slice %arg20[%add3A_28, %dma_wait3A_97] : memref<10240x64xf32, #tpu.memory_space<vmem_shared>> -> memref<128x64xf32, #tpu.memory_space<vmem_shared>>
      %dma_wait3A_99 = arith.constant 0 : i32
      %dma_wait3A_100 = arith.constant 0 : i32
      %dma_wait3A_101 = tpu.memref_slice %arg14[%dma_wait3A_99, %dma_wait3A_100] : memref<256x64xf32, #tpu.memory_space<vmem>> -> memref<128x64xf32, #tpu.memory_space<vmem>>
      tpu.wait_dma2 semaphore(%run_scoped3A : memref<!tpu.dma_semaphore, #tpu.memory_space<semaphore_mem>>) src(%dma_wait3A_101 : memref<128x64xf32, #tpu.memory_space<vmem>>) dst(%dma_wait3A_98 : memref<128x64xf32, #tpu.memory_space<vmem_shared>>)
      tpu.yield
    }) : () -> ()
    %mul3A_29 = arith.constant 640 : i32
    %mul3A_30 = arith.muli %arg1, %mul3A_29 : i32
    %add3A_31 = arith.constant 512 : i32
    %add3A_32 = arith.addi %mul3A_30, %add3A_31 : i32
    "tpu.region"() ({
      %run_scoped3A = tpu.sem_alloc : memref<!tpu.dma_semaphore, #tpu.memory_space<semaphore_mem>>
      %dma_start3A = arith.constant 0 : i32
      %dma_start3A_84 = arith.constant 0 : i32
      %dma_start3A_85 = tpu.memref_slice %arg14[%dma_start3A, %dma_start3A_84] : memref<256x64xf32, #tpu.memory_space<vmem>> -> memref<128x64xf32, #tpu.memory_space<vmem>>
      %dma_start3A_86 = arith.constant 0 : i32
      %dma_start3A_87 = tpu.memref_slice %arg20[%add3A_32, %dma_start3A_86] : memref<10240x64xf32, #tpu.memory_space<vmem_shared>> -> memref<128x64xf32, #tpu.memory_space<vmem_shared>>
      %dma_start3A_88 = arith.constant 0 : i32
      %dma_start3A_89 = tpu.memref_slice %arg20[%add3A_32, %dma_start3A_88] : memref<10240x64xf32, #tpu.memory_space<vmem_shared>> -> memref<128x64xf32, #tpu.memory_space<vmem_shared>>
      %dma_start3A_90 = arith.constant 0 : i32
      %dma_start3A_91 = arith.constant 0 : i32
      %dma_start3A_92 = tpu.memref_slice %arg14[%dma_start3A_90, %dma_start3A_91] : memref<256x64xf32, #tpu.memory_space<vmem>> -> memref<128x64xf32, #tpu.memory_space<vmem>>
      tpu.enqueue_dma source(%dma_start3A_92 : memref<128x64xf32, #tpu.memory_space<vmem>>) target(%dma_start3A_89 : memref<128x64xf32, #tpu.memory_space<vmem_shared>>) target_semaphore(%run_scoped3A : memref<!tpu.dma_semaphore, #tpu.memory_space<semaphore_mem>>)
      %dma_wait3A = arith.constant 0 : i32
      %dma_wait3A_93 = arith.constant 0 : i32
      %dma_wait3A_94 = tpu.memref_slice %arg14[%dma_wait3A, %dma_wait3A_93] : memref<256x64xf32, #tpu.memory_space<vmem>> -> memref<128x64xf32, #tpu.memory_space<vmem>>
      %dma_wait3A_95 = arith.constant 0 : i32
      %dma_wait3A_96 = tpu.memref_slice %arg20[%add3A_32, %dma_wait3A_95] : memref<10240x64xf32, #tpu.memory_space<vmem_shared>> -> memref<128x64xf32, #tpu.memory_space<vmem_shared>>
      %dma_wait3A_97 = arith.constant 0 : i32
      %dma_wait3A_98 = tpu.memref_slice %arg20[%add3A_32, %dma_wait3A_97] : memref<10240x64xf32, #tpu.memory_space<vmem_shared>> -> memref<128x64xf32, #tpu.memory_space<vmem_shared>>
      %dma_wait3A_99 = arith.constant 0 : i32
      %dma_wait3A_100 = arith.constant 0 : i32
      %dma_wait3A_101 = tpu.memref_slice %arg14[%dma_wait3A_99, %dma_wait3A_100] : memref<256x64xf32, #tpu.memory_space<vmem>> -> memref<128x64xf32, #tpu.memory_space<vmem>>
      tpu.wait_dma2 semaphore(%run_scoped3A : memref<!tpu.dma_semaphore, #tpu.memory_space<semaphore_mem>>) src(%dma_wait3A_101 : memref<128x64xf32, #tpu.memory_space<vmem>>) dst(%dma_wait3A_98 : memref<128x64xf32, #tpu.memory_space<vmem_shared>>)
      tpu.yield
    }) : () -> ()
    %broadcast_in_dim3A_33 = arith.constant -3.000000e+38 : f32
    %broadcast_in_dim3A_34 = vector.broadcast %broadcast_in_dim3A_33 : f32 to vector<16xf32>
    %swap3A = arith.constant 0 : index
    %swap3A_35 = tpu.vector_load %arg15[%swap3A] {strides = array<i32>} : memref<16xf32, #tpu.memory_space<vmem>>, vector<16xf32>,
    tpu.vector_store %arg15[%swap3A], %broadcast_in_dim3A_34 {strides = array<i32>} : memref<16xf32, #tpu.memory_space<vmem>>, vector<16xf32>,
    %scan3A_36 = arith.constant 0 : i32
    %scan3A_37 = arith.constant 625 : i32
    %scan3A_38 = arith.addi %scan3A_36, %scan3A_37 : i32
    %scan3A_39 = arith.constant 1 : i32
    scf.for %scan3A_84 = %scan3A_36 to %scan3A_38 step %scan3A_39  : i32 {
      %mul3A_85 = arith.constant 16 : i32
      %mul3A_86 = arith.muli %scan3A_84, %mul3A_85 : i32
      %add3A_87 = arith.constant 0 : i32
      %add3A_88 = arith.addi %add3A_87, %mul3A_86 : i32
      %get3A_89 = arith.constant 0 : index
      %get3A_90 = tpu.vector_load %arg15[%get3A_89] {strides = array<i32>} : memref<16xf32, #tpu.memory_space<vmem>>, vector<16xf32>,
      %get3A_91 = arith.index_cast %add3A_88 : i32 to index
      %get3A_92 = tpu.vector_load %arg10[%get3A_91] {strides = array<i32>} : memref<10000xf32, #tpu.memory_space<vmem>>, vector<16xf32>,
      %max3A_93 = arith.maximumf %get3A_90, %get3A_92 : vector<16xf32>
      %swap3A_94 = arith.constant 0 : index
      %swap3A_95 = tpu.vector_load %arg15[%swap3A_94] {strides = array<i32>} : memref<16xf32, #tpu.memory_space<vmem>>, vector<16xf32>,
      tpu.vector_store %arg15[%swap3A_94], %max3A_93 {strides = array<i32>} : memref<16xf32, #tpu.memory_space<vmem>>, vector<16xf32>,
    }
    %scan3A_40 = arith.constant 625 : i32
    %get3A = arith.constant 0 : index
    %get3A_41 = tpu.vector_load %arg15[%get3A] {strides = array<i32>} : memref<16xf32, #tpu.memory_space<vmem>>, vector<16xf32>,
    %reduce_max3A = arith.constant true
    %reduce_max3A_42 = vector.broadcast %reduce_max3A : i1 to vector<16xi1>
    %reduce_max3A_43 = tpu.scan <max>, %get3A_41 masked %reduce_max3A_42 : vector<16xf32>, vector<16xi1> -> vector<16xf32>
    %reduce_max3A_44 = vector.extract %reduce_max3A_43[15] : f32 from vector<16xf32>
    %swap3A_45 = arith.constant 0 : index
    %swap3A_46 = tpu.vector_load %arg15[%swap3A_45] {strides = array<i32>} : memref<16xf32, #tpu.memory_space<vmem>>, vector<16xf32>,
    tpu.vector_store %arg15[%swap3A_45], %broadcast_in_dim3A_34 {strides = array<i32>} : memref<16xf32, #tpu.memory_space<vmem>>, vector<16xf32>,
    %scan3A_47 = arith.constant 0 : i32
    %scan3A_48 = arith.constant 625 : i32
    %scan3A_49 = arith.addi %scan3A_47, %scan3A_48 : i32
    %scan3A_50 = arith.constant 1 : i32
    scf.for %scan3A_84 = %scan3A_47 to %scan3A_49 step %scan3A_50  : i32 {
      %mul3A_85 = arith.constant 16 : i32
      %mul3A_86 = arith.muli %scan3A_84, %mul3A_85 : i32
      %add3A_87 = arith.constant 0 : i32
      %add3A_88 = arith.addi %add3A_87, %mul3A_86 : i32
      %get3A_89 = arith.constant 0 : index
      %get3A_90 = tpu.vector_load %arg15[%get3A_89] {strides = array<i32>} : memref<16xf32, #tpu.memory_space<vmem>>, vector<16xf32>,
      %get3A_91 = arith.index_cast %add3A_88 : i32 to index
      %get3A_92 = tpu.vector_load %arg11[%get3A_91] {strides = array<i32>} : memref<10000xf32, #tpu.memory_space<vmem>>, vector<16xf32>,
      %max3A_93 = arith.maximumf %get3A_90, %get3A_92 : vector<16xf32>
      %swap3A_94 = arith.constant 0 : index
      %swap3A_95 = tpu.vector_load %arg15[%swap3A_94] {strides = array<i32>} : memref<16xf32, #tpu.memory_space<vmem>>, vector<16xf32>,
      tpu.vector_store %arg15[%swap3A_94], %max3A_93 {strides = array<i32>} : memref<16xf32, #tpu.memory_space<vmem>>, vector<16xf32>,
    }
    %scan3A_51 = arith.constant 625 : i32
    %get3A_52 = arith.constant 0 : index
    %get3A_53 = tpu.vector_load %arg15[%get3A_52] {strides = array<i32>} : memref<16xf32, #tpu.memory_space<vmem>>, vector<16xf32>,
    %reduce_max3A_54 = arith.constant true
    %reduce_max3A_55 = vector.broadcast %reduce_max3A_54 : i1 to vector<16xi1>
    %reduce_max3A_56 = tpu.scan <max>, %get3A_53 masked %reduce_max3A_55 : vector<16xf32>, vector<16xi1> -> vector<16xf32>
    %reduce_max3A_57 = vector.extract %reduce_max3A_56[15] : f32 from vector<16xf32>
    %add3A_58 = arith.addf %reduce_max3A_44, %reduce_max3A_57 : f32
    %mul3A_59 = arith.constant 2.000000e-01 : f32
    %mul3A_60 = arith.mulf %mul3A_59, %add3A_58 : f32
    %max3A = arith.maximumf %add3A_58, %mul3A_60 : f32
    %broadcast_in_dim3A_61 = vector.broadcast %max3A : f32 to vector<16xf32>
    %iota3A = tpu.iota {dimensions = array<i32: 0>} : vector<16xi32>
    %mul3A_62 = arith.constant 10752 : i32
    %mul3A_63 = arith.muli %add3A, %mul3A_62 : i32
    %scan3A_64 = arith.constant 0 : i32
    %scan3A_65 = arith.constant 42 : i32
    %scan3A_66 = arith.addi %scan3A_64, %scan3A_65 : i32
    %scan3A_67 = arith.constant 1 : i32
    scf.for %scan3A_84 = %scan3A_64 to %scan3A_66 step %scan3A_67  : i32 {
      %mul3A_85 = arith.constant 1 : i32
      %mul3A_86 = arith.muli %scan3A_84, %mul3A_85 : i32
      %add3A_87 = arith.constant 0 : i32
      %add3A_88 = arith.addi %add3A_87, %mul3A_86 : i32
      %mul3A_89 = arith.constant 256 : i32
      %mul3A_90 = arith.muli %add3A_88, %mul3A_89 : i32
      %add3A_91 = arith.addi %mul3A_63, %mul3A_90 : i32
      %scan3A_92 = arith.constant 0 : i32
      %scan3A_93 = arith.constant 16 : i32
      %scan3A_94 = arith.addi %scan3A_92, %scan3A_93 : i32
      %scan3A_95 = arith.constant 1 : i32
      scf.for %scan3A_97 = %scan3A_92 to %scan3A_94 step %scan3A_95  : i32 {
        %mul3A_98 = arith.constant 16 : i32
        %mul3A_99 = arith.muli %scan3A_97, %mul3A_98 : i32
        %add3A_100 = arith.constant 0 : i32
        %add3A_101 = arith.addi %add3A_100, %mul3A_99 : i32
        %get3A_102 = arith.index_cast %add3A_88 : i32 to index
        %get3A_103 = arith.index_cast %add3A_101 : i32 to index
        %get3A_104 = tpu.vector_load %arg8[%get3A_102, %get3A_103] {strides = array<i32>} : memref<42x256xi32, #tpu.memory_space<vmem>>, vector<16xi32>,
        %get3A_105 = arith.index_cast %add3A_88 : i32 to index
        %get3A_106 = arith.index_cast %add3A_101 : i32 to index
        %get3A_107 = tpu.vector_load %arg9[%get3A_105, %get3A_106] {strides = array<i32>} : memref<42x256xi32, #tpu.memory_space<vmem>>, vector<16xi32>,
        %gather3A = tpu.vector_load_idx %arg10[%get3A_104] : memref<10000xf32, #tpu.memory_space<vmem>>[vector<16xi32>], vector<16xf32>,
        %gather3A_108 = tpu.vector_load_idx %arg11[%get3A_107] : memref<10000xf32, #tpu.memory_space<vmem>>[vector<16xi32>], vector<16xf32>,
        %add3A_109 = arith.addf %gather3A, %gather3A_108 : vector<16xf32>
        %mul3A_110 = arith.constant 2.000000e-01 : f32
        %mul3A_111 = vector.broadcast %mul3A_110 : f32 to vector<16xf32>
        %mul3A_112 = arith.mulf %mul3A_111, %add3A_109 : vector<16xf32>
        %max3A_113 = arith.maximumf %add3A_109, %mul3A_112 : vector<16xf32>
        %sub3A = arith.subf %max3A_113, %broadcast_in_dim3A_61 : vector<16xf32>
        %exp3A = math.exp %sub3A : vector<16xf32>
        %add3A_114 = arith.addi %add3A_91, %add3A_101 : i32
        %broadcast_in_dim3A_115 = vector.broadcast %add3A_114 : i32 to vector<16xi32>
        %add3A_116 = arith.addi %broadcast_in_dim3A_115, %iota3A : vector<16xi32>
        %lt3A = arith.constant 330000 : i32
        %lt3A_117 = vector.broadcast %lt3A : i32 to vector<16xi32>
        %lt3A_118 = arith.cmpi slt, %add3A_116, %lt3A_117 : vector<16xi32>
        %jit3A = arith.constant 0.000000e+00 : f32
        %broadcast_in_dim3A_119 = vector.broadcast %jit3A : f32 to vector<16xf32>
        %select_n3A = arith.select %lt3A_118, %exp3A, %broadcast_in_dim3A_119 : vector<16xi1>, vector<16xf32>
        %swap3A_120 = arith.index_cast %add3A_88 : i32 to index
        %swap3A_121 = arith.index_cast %add3A_101 : i32 to index
        %swap3A_122 = tpu.vector_load %arg12[%swap3A_120, %swap3A_121] {strides = array<i32>} : memref<42x256xf32, #tpu.memory_space<vmem>>, vector<16xf32>,
        tpu.vector_store %arg12[%swap3A_120, %swap3A_121], %select_n3A {strides = array<i32>} : memref<42x256xf32, #tpu.memory_space<vmem>>, vector<16xf32>,
        tpu.vector_store_idx %arg13[%get3A_107], %select_n3A {add = true} : memref<10000xf32, #tpu.memory_space<vmem>>[vector<16xi32>], vector<16xf32>,
      }
      %scan3A_96 = arith.constant 16 : i32
    }
    %scan3A_68 = arith.constant 42 : i32
    %mul3A_69 = arith.constant 10000 : i32
    %mul3A_70 = arith.muli %add3A, %mul3A_69 : i32
    "tpu.region"() ({
      %run_scoped3A = tpu.sem_alloc : memref<!tpu.dma_semaphore, #tpu.memory_space<semaphore_mem>>
      %dma_start3A = tpu.memref_slice %arg7[%mul3A_70] : memref<320000xf32, #tpu.memory_space<hbm>> -> memref<10000xf32, #tpu.memory_space<hbm>>
      %dma_start3A_84 = tpu.memref_slice %arg7[%mul3A_70] : memref<320000xf32, #tpu.memory_space<hbm>> -> memref<10000xf32, #tpu.memory_space<hbm>>
      tpu.enqueue_dma source(%arg13 : memref<10000xf32, #tpu.memory_space<vmem>>) target(%dma_start3A_84 : memref<10000xf32, #tpu.memory_space<hbm>>) target_semaphore(%run_scoped3A : memref<!tpu.dma_semaphore, #tpu.memory_space<semaphore_mem>>)
      %dma_wait3A = tpu.memref_slice %arg7[%mul3A_70] : memref<320000xf32, #tpu.memory_space<hbm>> -> memref<10000xf32, #tpu.memory_space<hbm>>
      %dma_wait3A_85 = tpu.memref_slice %arg7[%mul3A_70] : memref<320000xf32, #tpu.memory_space<hbm>> -> memref<10000xf32, #tpu.memory_space<hbm>>
      tpu.wait_dma2 semaphore(%run_scoped3A : memref<!tpu.dma_semaphore, #tpu.memory_space<semaphore_mem>>) src(%arg13 : memref<10000xf32, #tpu.memory_space<vmem>>) dst(%dma_wait3A_85 : memref<10000xf32, #tpu.memory_space<hbm>>)
      tpu.yield
    }) : () -> ()
    %barrier3A = arith.constant 0 : index
    tpu.barrier barrier_id(%barrier3A)
    %scan3A_71 = arith.constant 0 : i32
    %scan3A_72 = arith.constant 42 : i32
    %scan3A_73 = arith.addi %scan3A_71, %scan3A_72 : i32
    %scan3A_74 = arith.constant 1 : i32
    scf.for %scan3A_84 = %scan3A_71 to %scan3A_73 step %scan3A_74  : i32 {
      %mul3A_85 = arith.constant 1 : i32
      %mul3A_86 = arith.muli %scan3A_84, %mul3A_85 : i32
      %add3A_87 = arith.constant 0 : i32
      %add3A_88 = arith.addi %add3A_87, %mul3A_86 : i32
      "tpu.region"() ({
        %run_scoped3A = tpu.sem_alloc : memref<!tpu.dma_semaphore, #tpu.memory_space<semaphore_mem>>
        %dma_start3A = arith.constant 0 : i32
        %dma_start3A_95 = tpu.memref_slice %arg8[%add3A_88, %dma_start3A] : memref<42x256xi32, #tpu.memory_space<vmem>> -> memref<1x256xi32, #tpu.memory_space<vmem>>
        %dma_start3A_96 = tpu.memref_squeeze %dma_start3A_95 : memref<1x256xi32, #tpu.memory_space<vmem>> -> memref<256xi32, #tpu.memory_space<vmem>>
        %dma_start3A_97 = arith.constant 0 : i32
        %dma_start3A_98 = arith.constant 0 : i32
        %dma_start3A_99 = tpu.memref_slice %arg5[%dma_start3A_97, %dma_start3A_98] : memref<10240x64xf32, #tpu.memory_space<hbm>> -> memref<10240x64xf32, #tpu.memory_space<hbm>>
        tpu.enqueue_indirect_dma source(%dma_start3A_99 : memref<10240x64xf32, #tpu.memory_space<hbm>>) target(%arg14 : memref<256x64xf32, #tpu.memory_space<vmem>>) offsets(%dma_start3A_96 : memref<256xi32, #tpu.memory_space<vmem>>) semaphore(%run_scoped3A : memref<!tpu.dma_semaphore, #tpu.memory_space<semaphore_mem>>)
        %dma_wait3A = arith.constant 0 : i32
        %dma_wait3A_100 = tpu.memref_slice %arg8[%add3A_88, %dma_wait3A] : memref<42x256xi32, #tpu.memory_space<vmem>> -> memref<1x256xi32, #tpu.memory_space<vmem>>
        %dma_wait3A_101 = tpu.memref_squeeze %dma_wait3A_100 : memref<1x256xi32, #tpu.memory_space<vmem>> -> memref<256xi32, #tpu.memory_space<vmem>>
        %dma_wait3A_102 = arith.constant 0 : i32
        %dma_wait3A_103 = arith.constant 0 : i32
        %dma_wait3A_104 = tpu.memref_slice %arg5[%dma_wait3A_102, %dma_wait3A_103] : memref<10240x64xf32, #tpu.memory_space<hbm>> -> memref<10240x64xf32, #tpu.memory_space<hbm>>
        tpu.wait_indirect_dma semaphore(%run_scoped3A : memref<!tpu.dma_semaphore, #tpu.memory_space<semaphore_mem>>) src(%dma_wait3A_104 : memref<10240x64xf32, #tpu.memory_space<hbm>>) dst(%arg14 : memref<256x64xf32, #tpu.memory_space<vmem>>)
        tpu.yield
      }) : () -> ()
      %broadcast_in_dim3A_89 = vector.broadcast %add3A_88 : i32 to vector<16xi32>
      %scan3A_90 = arith.constant 0 : i32
      %scan3A_91 = arith.constant 256 : i32
      %scan3A_92 = arith.addi %scan3A_90, %scan3A_91 : i32
      %scan3A_93 = arith.constant 1 : i32
      scf.for %scan3A_95 = %scan3A_90 to %scan3A_92 step %scan3A_93  : i32 {
        %mul3A_96 = arith.constant 1 : i32
        %mul3A_97 = arith.muli %scan3A_95, %mul3A_96 : i32
        %add3A_98 = arith.constant 0 : i32
        %add3A_99 = arith.addi %add3A_98, %mul3A_97 : i32
        %broadcast_in_dim3A_100 = vector.broadcast %add3A_99 : i32 to vector<16xi32>
        %gather3A = tpu.vector_load_idx %arg12[%broadcast_in_dim3A_89, %broadcast_in_dim3A_100] : memref<42x256xf32, #tpu.memory_space<vmem>>[vector<16xi32>, vector<16xi32>], vector<16xf32>,
        %get3A_101 = arith.index_cast %add3A_99 : i32 to index
        %get3A_102 = arith.constant 0 : index
        %get3A_103 = tpu.vector_load %arg14[%get3A_101, %get3A_102] {strides = array<i32>} : memref<256x64xf32, #tpu.memory_space<vmem>>, vector<16xf32>,
        %mul3A_104 = arith.mulf %get3A_103, %gather3A : vector<16xf32>
        %swap3A_105 = arith.index_cast %add3A_99 : i32 to index
        %swap3A_106 = arith.constant 0 : index
        %swap3A_107 = tpu.vector_load %arg14[%swap3A_105, %swap3A_106] {strides = array<i32>} : memref<256x64xf32, #tpu.memory_space<vmem>>, vector<16xf32>,
        tpu.vector_store %arg14[%swap3A_105, %swap3A_106], %mul3A_104 {strides = array<i32>} : memref<256x64xf32, #tpu.memory_space<vmem>>, vector<16xf32>,
        %get3A_108 = arith.index_cast %add3A_99 : i32 to index
        %get3A_109 = arith.constant 16 : index
        %get3A_110 = tpu.vector_load %arg14[%get3A_108, %get3A_109] {strides = array<i32>} : memref<256x64xf32, #tpu.memory_space<vmem>>, vector<16xf32>,
        %mul3A_111 = arith.mulf %get3A_110, %gather3A : vector<16xf32>
        %swap3A_112 = arith.index_cast %add3A_99 : i32 to index
        %swap3A_113 = arith.constant 16 : index
        %swap3A_114 = tpu.vector_load %arg14[%swap3A_112, %swap3A_113] {strides = array<i32>} : memref<256x64xf32, #tpu.memory_space<vmem>>, vector<16xf32>,
        tpu.vector_store %arg14[%swap3A_112, %swap3A_113], %mul3A_111 {strides = array<i32>} : memref<256x64xf32, #tpu.memory_space<vmem>>, vector<16xf32>,
        %get3A_115 = arith.index_cast %add3A_99 : i32 to index
        %get3A_116 = arith.constant 32 : index
        %get3A_117 = tpu.vector_load %arg14[%get3A_115, %get3A_116] {strides = array<i32>} : memref<256x64xf32, #tpu.memory_space<vmem>>, vector<16xf32>,
        %mul3A_118 = arith.mulf %get3A_117, %gather3A : vector<16xf32>
        %swap3A_119 = arith.index_cast %add3A_99 : i32 to index
        %swap3A_120 = arith.constant 32 : index
        %swap3A_121 = tpu.vector_load %arg14[%swap3A_119, %swap3A_120] {strides = array<i32>} : memref<256x64xf32, #tpu.memory_space<vmem>>, vector<16xf32>,
        tpu.vector_store %arg14[%swap3A_119, %swap3A_120], %mul3A_118 {strides = array<i32>} : memref<256x64xf32, #tpu.memory_space<vmem>>, vector<16xf32>,
        %get3A_122 = arith.index_cast %add3A_99 : i32 to index
        %get3A_123 = arith.constant 48 : index
        %get3A_124 = tpu.vector_load %arg14[%get3A_122, %get3A_123] {strides = array<i32>} : memref<256x64xf32, #tpu.memory_space<vmem>>, vector<16xf32>,
        %mul3A_125 = arith.mulf %get3A_124, %gather3A : vector<16xf32>
        %swap3A_126 = arith.index_cast %add3A_99 : i32 to index
        %swap3A_127 = arith.constant 48 : index
        %swap3A_128 = tpu.vector_load %arg14[%swap3A_126, %swap3A_127] {strides = array<i32>} : memref<256x64xf32, #tpu.memory_space<vmem>>, vector<16xf32>,
        tpu.vector_store %arg14[%swap3A_126, %swap3A_127], %mul3A_125 {strides = array<i32>} : memref<256x64xf32, #tpu.memory_space<vmem>>, vector<16xf32>,
      }
      %scan3A_94 = arith.constant 256 : i32
      "tpu.region"() ({
        %run_scoped3A = tpu.sem_alloc : memref<!tpu.dma_semaphore, #tpu.memory_space<semaphore_mem>>
        %dma_start3A = arith.constant 0 : i32
        %dma_start3A_95 = tpu.memref_slice %arg9[%add3A_88, %dma_start3A] : memref<42x256xi32, #tpu.memory_space<vmem>> -> memref<1x256xi32, #tpu.memory_space<vmem>>
        %dma_start3A_96 = tpu.memref_squeeze %dma_start3A_95 : memref<1x256xi32, #tpu.memory_space<vmem>> -> memref<256xi32, #tpu.memory_space<vmem>>
        %dma_start3A_97 = arith.constant 0 : i32
        %dma_start3A_98 = arith.constant 0 : i32
        %dma_start3A_99 = tpu.memref_slice %arg20[%dma_start3A_97, %dma_start3A_98] : memref<10240x64xf32, #tpu.memory_space<vmem_shared>> -> memref<10240x64xf32, #tpu.memory_space<vmem_shared>>
        tpu.enqueue_indirect_dma source(%arg14 : memref<256x64xf32, #tpu.memory_space<vmem>>) target(%dma_start3A_99 : memref<10240x64xf32, #tpu.memory_space<vmem_shared>>) offsets(%dma_start3A_96 : memref<256xi32, #tpu.memory_space<vmem>>) semaphore(%run_scoped3A : memref<!tpu.dma_semaphore, #tpu.memory_space<semaphore_mem>>) {add = true}
        %dma_wait3A = arith.constant 0 : i32
        %dma_wait3A_100 = tpu.memref_slice %arg9[%add3A_88, %dma_wait3A] : memref<42x256xi32, #tpu.memory_space<vmem>> -> memref<1x256xi32, #tpu.memory_space<vmem>>
        %dma_wait3A_101 = tpu.memref_squeeze %dma_wait3A_100 : memref<1x256xi32, #tpu.memory_space<vmem>> -> memref<256xi32, #tpu.memory_space<vmem>>
        %dma_wait3A_102 = arith.constant 0 : i32
        %dma_wait3A_103 = arith.constant 0 : i32
        %dma_wait3A_104 = tpu.memref_slice %arg20[%dma_wait3A_102, %dma_wait3A_103] : memref<10240x64xf32, #tpu.memory_space<vmem_shared>> -> memref<10240x64xf32, #tpu.memory_space<vmem_shared>>
        tpu.wait_indirect_dma semaphore(%run_scoped3A : memref<!tpu.dma_semaphore, #tpu.memory_space<semaphore_mem>>) src(%arg14 : memref<256x64xf32, #tpu.memory_space<vmem>>) dst(%dma_wait3A_104 : memref<10240x64xf32, #tpu.memory_space<vmem_shared>>)
        tpu.yield
      }) : () -> ()
    }
    %scan3A_75 = arith.constant 42 : i32
    %barrier3A_76 = arith.constant 0 : index
    tpu.barrier barrier_id(%barrier3A_76)
    %mul3A_77 = arith.constant 640 : i32
    %mul3A_78 = arith.muli %arg1, %mul3A_77 : i32
    %mul3A_79 = arith.constant 10240 : i32
    %mul3A_80 = arith.muli %arg0, %mul3A_79 : i32
    %mul3A_81 = arith.constant 640 : i32
    %mul3A_82 = arith.muli %arg1, %mul3A_81 : i32
    %add3A_83 = arith.addi %mul3A_80, %mul3A_82 : i32
    "tpu.region"() ({
      %run_scoped3A = tpu.sem_alloc : memref<!tpu.dma_semaphore, #tpu.memory_space<semaphore_mem>>
      %dma_start3A = arith.constant 0 : i32
      %dma_start3A_84 = tpu.memref_slice %arg6[%add3A_83, %dma_start3A] : memref<20480x64xf32, #tpu.memory_space<hbm>> -> memref<640x64xf32, #tpu.memory_space<hbm>>
      %dma_start3A_85 = arith.constant 0 : i32
      %dma_start3A_86 = tpu.memref_slice %arg20[%mul3A_78, %dma_start3A_85] : memref<10240x64xf32, #tpu.memory_space<vmem_shared>> -> memref<640x64xf32, #tpu.memory_space<vmem_shared>>
      tpu.enqueue_dma source(%dma_start3A_86 : memref<640x64xf32, #tpu.memory_space<vmem_shared>>) target(%dma_start3A_84 : memref<640x64xf32, #tpu.memory_space<hbm>>) target_semaphore(%run_scoped3A : memref<!tpu.dma_semaphore, #tpu.memory_space<semaphore_mem>>)
      %dma_wait3A = arith.constant 0 : i32
      %dma_wait3A_87 = tpu.memref_slice %arg6[%add3A_83, %dma_wait3A] : memref<20480x64xf32, #tpu.memory_space<hbm>> -> memref<640x64xf32, #tpu.memory_space<hbm>>
      %dma_wait3A_88 = arith.constant 0 : i32
      %dma_wait3A_89 = tpu.memref_slice %arg20[%mul3A_78, %dma_wait3A_88] : memref<10240x64xf32, #tpu.memory_space<vmem_shared>> -> memref<640x64xf32, #tpu.memory_space<vmem_shared>>
      tpu.wait_dma2 semaphore(%run_scoped3A : memref<!tpu.dma_semaphore, #tpu.memory_space<semaphore_mem>>) src(%dma_wait3A_89 : memref<640x64xf32, #tpu.memory_space<vmem_shared>>) dst(%dma_wait3A_87 : memref<640x64xf32, #tpu.memory_space<hbm>>)
      tpu.yield
    }) : () -> ()
    return
  }
}

#map = affine_map<(d0, d1) -> (0, 0, 0)>
#map1 = affine_map<(d0, d1) -> (0)>
#map2 = affine_map<(d0, d1) -> (0, 0)>
module attributes {stable_mosaic.version = 14 : i64} {
  func.func @_sc_edge_body(%arg0: i32, %arg1: i32, %arg2: memref<32x42x256xi32, #tpu.memory_space<hbm>>, %arg3: memref<32x42x256xi32, #tpu.memory_space<hbm>>, %arg4: memref<20000xf32, #tpu.memory_space<hbm>>, %arg5: memref<10240x64xf32, #tpu.memory_space<hbm>>, %arg6: memref<20480x64xf32, #tpu.memory_space<hbm>>, %arg7: memref<320000xf32, #tpu.memory_space<hbm>>, %arg8: memref<42x256xi32, #tpu.memory_space<vmem>>, %arg9: memref<42x256xi32, #tpu.memory_space<vmem>>, %arg10: memref<10000xf32, #tpu.memory_space<vmem>>, %arg11: memref<10000xf32, #tpu.memory_space<vmem>>, %arg12: memref<42x256xf32, #tpu.memory_space<vmem>>, %arg13: memref<10000xf32, #tpu.memory_space<vmem>>, %arg14: memref<256x64xf32, #tpu.memory_space<vmem>>, %arg15: memref<16xf32, #tpu.memory_space<vmem>>, %arg16: memref<!tpu.dma_semaphore, #tpu.memory_space<semaphore_mem>>, %arg17: memref<!tpu.dma_semaphore, #tpu.memory_space<semaphore_mem>>, %arg18: memref<!tpu.dma_semaphore, #tpu.memory_space<semaphore_mem>>, %arg19: memref<!tpu.dma_semaphore, #tpu.memory_space<semaphore_mem>>, %arg20: memref<10240x64xf32, #tpu.memory_space<vmem_shared>>) attributes {dimension_semantics = [#tpu.dimension_semantics<core_parallel>, #tpu.dimension_semantics<subcore_parallel>], iteration_bounds = array<i64: 2, 16>, scalar_prefetch = 0 : i64, scratch_operands = 13 : i64, tpu.core_type = #tpu.core_type<sc_vector_subcore>, window_params = [{transform_indices = #map}, {transform_indices = #map}, {transform_indices = #map1}, {transform_indices = #map2}, {transform_indices = #map2}, {transform_indices = #map1}]} {
    %mul3A = arith.constant 16 : i32
    %mul3A_0 = arith.muli %arg0, %mul3A : i32
    %add3A = arith.addi %mul3A_0, %arg1 : i32
    "tpu.region"() ({
      %run_scoped3A = tpu.sem_alloc : memref<!tpu.dma_semaphore, #tpu.memory_space<semaphore_mem>>
      %dma_start3A = arith.constant 0 : i32
      %dma_start3A_84 = arith.constant 0 : i32
      %dma_start3A_85 = tpu.memref_slice %arg2[%add3A, %dma_start3A, %dma_start3A_84] : memref<32x42x256xi32, #tpu.memory_space<hbm>> -> memref<1x42x256xi32, #tpu.memory_space<hbm>>
      %dma_start3A_86 = tpu.memref_squeeze %dma_start3A_85 : memref<1x42x256xi32, #tpu.memory_space<hbm>> -> memref<42x256xi32, #tpu.memory_space<hbm>>
      %dma_start3A_87 = arith.constant 0 : i32
      %dma_start3A_88 = arith.constant 0 : i32
      %dma_start3A_89 = tpu.memref_slice %arg2[%add3A, %dma_start3A_87, %dma_start3A_88] : memref<32x42x256xi32, #tpu.memory_space<hbm>> -> memref<1x42x256xi32, #tpu.memory_space<hbm>>
      %dma_start3A_90 = tpu.memref_squeeze %dma_start3A_89 : memref<1x42x256xi32, #tpu.memory_space<hbm>> -> memref<42x256xi32, #tpu.memory_space<hbm>>
      tpu.enqueue_dma source(%dma_start3A_90 : memref<42x256xi32, #tpu.memory_space<hbm>>) target(%arg8 : memref<42x256xi32, #tpu.memory_space<vmem>>) target_semaphore(%run_scoped3A : memref<!tpu.dma_semaphore, #tpu.memory_space<semaphore_mem>>)
      %dma_wait3A = arith.constant 0 : i32
      %dma_wait3A_91 = arith.constant 0 : i32
      %dma_wait3A_92 = tpu.memref_slice %arg2[%add3A, %dma_wait3A, %dma_wait3A_91] : memref<32x42x256xi32, #tpu.memory_space<hbm>> -> memref<1x42x256xi32, #tpu.memory_space<hbm>>
      %dma_wait3A_93 = tpu.memref_squeeze %dma_wait3A_92 : memref<1x42x256xi32, #tpu.memory_space<hbm>> -> memref<42x256xi32, #tpu.memory_space<hbm>>
      %dma_wait3A_94 = arith.constant 0 : i32
      %dma_wait3A_95 = arith.constant 0 : i32
      %dma_wait3A_96 = tpu.memref_slice %arg2[%add3A, %dma_wait3A_94, %dma_wait3A_95] : memref<32x42x256xi32, #tpu.memory_space<hbm>> -> memref<1x42x256xi32, #tpu.memory_space<hbm>>
      %dma_wait3A_97 = tpu.memref_squeeze %dma_wait3A_96 : memref<1x42x256xi32, #tpu.memory_space<hbm>> -> memref<42x256xi32, #tpu.memory_space<hbm>>
      tpu.wait_dma2 semaphore(%run_scoped3A : memref<!tpu.dma_semaphore, #tpu.memory_space<semaphore_mem>>) src(%dma_wait3A_97 : memref<42x256xi32, #tpu.memory_space<hbm>>) dst(%arg8 : memref<42x256xi32, #tpu.memory_space<vmem>>)
      tpu.yield
    }) : () -> ()
    "tpu.region"() ({
      %run_scoped3A = tpu.sem_alloc : memref<!tpu.dma_semaphore, #tpu.memory_space<semaphore_mem>>
      %dma_start3A = arith.constant 0 : i32
      %dma_start3A_84 = arith.constant 0 : i32
      %dma_start3A_85 = tpu.memref_slice %arg3[%add3A, %dma_start3A, %dma_start3A_84] : memref<32x42x256xi32, #tpu.memory_space<hbm>> -> memref<1x42x256xi32, #tpu.memory_space<hbm>>
      %dma_start3A_86 = tpu.memref_squeeze %dma_start3A_85 : memref<1x42x256xi32, #tpu.memory_space<hbm>> -> memref<42x256xi32, #tpu.memory_space<hbm>>
      %dma_start3A_87 = arith.constant 0 : i32
      %dma_start3A_88 = arith.constant 0 : i32
      %dma_start3A_89 = tpu.memref_slice %arg3[%add3A, %dma_start3A_87, %dma_start3A_88] : memref<32x42x256xi32, #tpu.memory_space<hbm>> -> memref<1x42x256xi32, #tpu.memory_space<hbm>>
      %dma_start3A_90 = tpu.memref_squeeze %dma_start3A_89 : memref<1x42x256xi32, #tpu.memory_space<hbm>> -> memref<42x256xi32, #tpu.memory_space<hbm>>
      tpu.enqueue_dma source(%dma_start3A_90 : memref<42x256xi32, #tpu.memory_space<hbm>>) target(%arg9 : memref<42x256xi32, #tpu.memory_space<vmem>>) target_semaphore(%run_scoped3A : memref<!tpu.dma_semaphore, #tpu.memory_space<semaphore_mem>>)
      %dma_wait3A = arith.constant 0 : i32
      %dma_wait3A_91 = arith.constant 0 : i32
      %dma_wait3A_92 = tpu.memref_slice %arg3[%add3A, %dma_wait3A, %dma_wait3A_91] : memref<32x42x256xi32, #tpu.memory_space<hbm>> -> memref<1x42x256xi32, #tpu.memory_space<hbm>>
      %dma_wait3A_93 = tpu.memref_squeeze %dma_wait3A_92 : memref<1x42x256xi32, #tpu.memory_space<hbm>> -> memref<42x256xi32, #tpu.memory_space<hbm>>
      %dma_wait3A_94 = arith.constant 0 : i32
      %dma_wait3A_95 = arith.constant 0 : i32
      %dma_wait3A_96 = tpu.memref_slice %arg3[%add3A, %dma_wait3A_94, %dma_wait3A_95] : memref<32x42x256xi32, #tpu.memory_space<hbm>> -> memref<1x42x256xi32, #tpu.memory_space<hbm>>
      %dma_wait3A_97 = tpu.memref_squeeze %dma_wait3A_96 : memref<1x42x256xi32, #tpu.memory_space<hbm>> -> memref<42x256xi32, #tpu.memory_space<hbm>>
      tpu.wait_dma2 semaphore(%run_scoped3A : memref<!tpu.dma_semaphore, #tpu.memory_space<semaphore_mem>>) src(%dma_wait3A_97 : memref<42x256xi32, #tpu.memory_space<hbm>>) dst(%arg9 : memref<42x256xi32, #tpu.memory_space<vmem>>)
      tpu.yield
    }) : () -> ()
    "tpu.region"() ({
      %run_scoped3A = tpu.sem_alloc : memref<!tpu.dma_semaphore, #tpu.memory_space<semaphore_mem>>
      %dma_start3A = arith.constant 0 : i32
      %dma_start3A_84 = tpu.memref_slice %arg4[%dma_start3A] : memref<20000xf32, #tpu.memory_space<hbm>> -> memref<10000xf32, #tpu.memory_space<hbm>>
      %dma_start3A_85 = arith.constant 0 : i32
      %dma_start3A_86 = tpu.memref_slice %arg4[%dma_start3A_85] : memref<20000xf32, #tpu.memory_space<hbm>> -> memref<10000xf32, #tpu.memory_space<hbm>>
      tpu.enqueue_dma source(%dma_start3A_86 : memref<10000xf32, #tpu.memory_space<hbm>>) target(%arg10 : memref<10000xf32, #tpu.memory_space<vmem>>) target_semaphore(%run_scoped3A : memref<!tpu.dma_semaphore, #tpu.memory_space<semaphore_mem>>)
      %dma_wait3A = arith.constant 0 : i32
      %dma_wait3A_87 = tpu.memref_slice %arg4[%dma_wait3A] : memref<20000xf32, #tpu.memory_space<hbm>> -> memref<10000xf32, #tpu.memory_space<hbm>>
      %dma_wait3A_88 = arith.constant 0 : i32
      %dma_wait3A_89 = tpu.memref_slice %arg4[%dma_wait3A_88] : memref<20000xf32, #tpu.memory_space<hbm>> -> memref<10000xf32, #tpu.memory_space<hbm>>
      tpu.wait_dma2 semaphore(%run_scoped3A : memref<!tpu.dma_semaphore, #tpu.memory_space<semaphore_mem>>) src(%dma_wait3A_89 : memref<10000xf32, #tpu.memory_space<hbm>>) dst(%arg10 : memref<10000xf32, #tpu.memory_space<vmem>>)
      tpu.yield
    }) : () -> ()
    "tpu.region"() ({
      %run_scoped3A = tpu.sem_alloc : memref<!tpu.dma_semaphore, #tpu.memory_space<semaphore_mem>>
      %dma_start3A = arith.constant 10000 : i32
      %dma_start3A_84 = tpu.memref_slice %arg4[%dma_start3A] : memref<20000xf32, #tpu.memory_space<hbm>> -> memref<10000xf32, #tpu.memory_space<hbm>>
      %dma_start3A_85 = arith.constant 10000 : i32
      %dma_start3A_86 = tpu.memref_slice %arg4[%dma_start3A_85] : memref<20000xf32, #tpu.memory_space<hbm>> -> memref<10000xf32, #tpu.memory_space<hbm>>
      tpu.enqueue_dma source(%dma_start3A_86 : memref<10000xf32, #tpu.memory_space<hbm>>) target(%arg11 : memref<10000xf32, #tpu.memory_space<vmem>>) target_semaphore(%run_scoped3A : memref<!tpu.dma_semaphore, #tpu.memory_space<semaphore_mem>>)
      %dma_wait3A = arith.constant 10000 : i32
      %dma_wait3A_87 = tpu.memref_slice %arg4[%dma_wait3A] : memref<20000xf32, #tpu.memory_space<hbm>> -> memref<10000xf32, #tpu.memory_space<hbm>>
      %dma_wait3A_88 = arith.constant 10000 : i32
      %dma_wait3A_89 = tpu.memref_slice %arg4[%dma_wait3A_88] : memref<20000xf32, #tpu.memory_space<hbm>> -> memref<10000xf32, #tpu.memory_space<hbm>>
      tpu.wait_dma2 semaphore(%run_scoped3A : memref<!tpu.dma_semaphore, #tpu.memory_space<semaphore_mem>>) src(%dma_wait3A_89 : memref<10000xf32, #tpu.memory_space<hbm>>) dst(%arg11 : memref<10000xf32, #tpu.memory_space<vmem>>)
      tpu.yield
    }) : () -> ()
    %broadcast_in_dim3A = arith.constant 0.000000e+00 : f32
    %broadcast_in_dim3A_1 = vector.broadcast %broadcast_in_dim3A : f32 to vector<16xf32>
    %broadcast_in_dim3A_2 = arith.constant 0.000000e+00 : f32
    %broadcast_in_dim3A_3 = vector.broadcast %broadcast_in_dim3A_2 : f32 to vector<1x16xf32>
    %scan3A = arith.constant 0 : i32
    %scan3A_4 = arith.constant 625 : i32
    %scan3A_5 = arith.addi %scan3A, %scan3A_4 : i32
    %scan3A_6 = arith.constant 1 : i32
    scf.for %scan3A_84 = %scan3A to %scan3A_5 step %scan3A_6  : i32 {
      %mul3A_85 = arith.constant 16 : i32
      %mul3A_86 = arith.muli %scan3A_84, %mul3A_85 : i32
      %add3A_87 = arith.constant 0 : i32
      %add3A_88 = arith.addi %add3A_87, %mul3A_86 : i32
      %swap3A_89 = arith.index_cast %add3A_88 : i32 to index
      %swap3A_90 = tpu.vector_load %arg13[%swap3A_89] {strides = array<i32>} : memref<10000xf32, #tpu.memory_space<vmem>>, vector<16xf32>,
      tpu.vector_store %arg13[%swap3A_89], %broadcast_in_dim3A_1 {strides = array<i32>} : memref<10000xf32, #tpu.memory_space<vmem>>, vector<16xf32>,
    }
    %scan3A_7 = arith.constant 625 : i32
    %scan3A_8 = arith.constant 0 : i32
    %scan3A_9 = arith.constant 256 : i32
    %scan3A_10 = arith.addi %scan3A_8, %scan3A_9 : i32
    %scan3A_11 = arith.constant 1 : i32
    scf.for %scan3A_84 = %scan3A_8 to %scan3A_10 step %scan3A_11  : i32 {
      %mul3A_85 = arith.constant 1 : i32
      %mul3A_86 = arith.muli %scan3A_84, %mul3A_85 : i32
      %add3A_87 = arith.constant 0 : i32
      %add3A_88 = arith.addi %add3A_87, %mul3A_86 : i32
      %swap3A_89 = arith.index_cast %add3A_88 : i32 to index
      %swap3A_90 = arith.constant 0 : index
      %swap3A_91 = tpu.vector_load %arg14[%swap3A_89, %swap3A_90] {strides = array<i32>} : memref<256x64xf32, #tpu.memory_space<vmem>>, vector<16xf32>,
      tpu.vector_store %arg14[%swap3A_89, %swap3A_90], %broadcast_in_dim3A_1 {strides = array<i32>} : memref<256x64xf32, #tpu.memory_space<vmem>>, vector<16xf32>,
      %swap3A_92 = arith.index_cast %add3A_88 : i32 to index
      %swap3A_93 = arith.constant 16 : index
      %swap3A_94 = tpu.vector_load %arg14[%swap3A_92, %swap3A_93] {strides = array<i32>} : memref<256x64xf32, #tpu.memory_space<vmem>>, vector<16xf32>,
      tpu.vector_store %arg14[%swap3A_92, %swap3A_93], %broadcast_in_dim3A_1 {strides = array<i32>} : memref<256x64xf32, #tpu.memory_space<vmem>>, vector<16xf32>,
      %swap3A_95 = arith.index_cast %add3A_88 : i32 to index
      %swap3A_96 = arith.constant 32 : index
      %swap3A_97 = tpu.vector_load %arg14[%swap3A_95, %swap3A_96] {strides = array<i32>} : memref<256x64xf32, #tpu.memory_space<vmem>>, vector<16xf32>,
      tpu.vector_store %arg14[%swap3A_95, %swap3A_96], %broadcast_in_dim3A_1 {strides = array<i32>} : memref<256x64xf32, #tpu.memory_space<vmem>>, vector<16xf32>,
      %swap3A_98 = arith.index_cast %add3A_88 : i32 to index
      %swap3A_99 = arith.constant 48 : index
      %swap3A_100 = tpu.vector_load %arg14[%swap3A_98, %swap3A_99] {strides = array<i32>} : memref<256x64xf32, #tpu.memory_space<vmem>>, vector<16xf32>,
      tpu.vector_store %arg14[%swap3A_98, %swap3A_99], %broadcast_in_dim3A_1 {strides = array<i32>} : memref<256x64xf32, #tpu.memory_space<vmem>>, vector<16xf32>,
    }
    %scan3A_12 = arith.constant 256 : i32
    %mul3A_13 = arith.constant 640 : i32
    %mul3A_14 = arith.muli %arg1, %mul3A_13 : i32
    %add3A_15 = arith.constant 0 : i32
    %add3A_16 = arith.addi %mul3A_14, %add3A_15 : i32
    "tpu.region"() ({
      %run_scoped3A = tpu.sem_alloc : memref<!tpu.dma_semaphore, #tpu.memory_space<semaphore_mem>>
      %dma_start3A = arith.constant 0 : i32
      %dma_start3A_84 = arith.constant 0 : i32
      %dma_start3A_85 = tpu.memref_slice %arg14[%dma_start3A, %dma_start3A_84] : memref<256x64xf32, #tpu.memory_space<vmem>> -> memref<128x64xf32, #tpu.memory_space<vmem>>
      %dma_start3A_86 = arith.constant 0 : i32
      %dma_start3A_87 = tpu.memref_slice %arg20[%add3A_16, %dma_start3A_86] : memref<10240x64xf32, #tpu.memory_space<vmem_shared>> -> memref<128x64xf32, #tpu.memory_space<vmem_shared>>
      %dma_start3A_88 = arith.constant 0 : i32
      %dma_start3A_89 = tpu.memref_slice %arg20[%add3A_16, %dma_start3A_88] : memref<10240x64xf32, #tpu.memory_space<vmem_shared>> -> memref<128x64xf32, #tpu.memory_space<vmem_shared>>
      %dma_start3A_90 = arith.constant 0 : i32
      %dma_start3A_91 = arith.constant 0 : i32
      %dma_start3A_92 = tpu.memref_slice %arg14[%dma_start3A_90, %dma_start3A_91] : memref<256x64xf32, #tpu.memory_space<vmem>> -> memref<128x64xf32, #tpu.memory_space<vmem>>
      tpu.enqueue_dma source(%dma_start3A_92 : memref<128x64xf32, #tpu.memory_space<vmem>>) target(%dma_start3A_89 : memref<128x64xf32, #tpu.memory_space<vmem_shared>>) target_semaphore(%run_scoped3A : memref<!tpu.dma_semaphore, #tpu.memory_space<semaphore_mem>>)
      %dma_wait3A = arith.constant 0 : i32
      %dma_wait3A_93 = arith.constant 0 : i32
      %dma_wait3A_94 = tpu.memref_slice %arg14[%dma_wait3A, %dma_wait3A_93] : memref<256x64xf32, #tpu.memory_space<vmem>> -> memref<128x64xf32, #tpu.memory_space<vmem>>
      %dma_wait3A_95 = arith.constant 0 : i32
      %dma_wait3A_96 = tpu.memref_slice %arg20[%add3A_16, %dma_wait3A_95] : memref<10240x64xf32, #tpu.memory_space<vmem_shared>> -> memref<128x64xf32, #tpu.memory_space<vmem_shared>>
      %dma_wait3A_97 = arith.constant 0 : i32
      %dma_wait3A_98 = tpu.memref_slice %arg20[%add3A_16, %dma_wait3A_97] : memref<10240x64xf32, #tpu.memory_space<vmem_shared>> -> memref<128x64xf32, #tpu.memory_space<vmem_shared>>
      %dma_wait3A_99 = arith.constant 0 : i32
      %dma_wait3A_100 = arith.constant 0 : i32
      %dma_wait3A_101 = tpu.memref_slice %arg14[%dma_wait3A_99, %dma_wait3A_100] : memref<256x64xf32, #tpu.memory_space<vmem>> -> memref<128x64xf32, #tpu.memory_space<vmem>>
      tpu.wait_dma2 semaphore(%run_scoped3A : memref<!tpu.dma_semaphore, #tpu.memory_space<semaphore_mem>>) src(%dma_wait3A_101 : memref<128x64xf32, #tpu.memory_space<vmem>>) dst(%dma_wait3A_98 : memref<128x64xf32, #tpu.memory_space<vmem_shared>>)
      tpu.yield
    }) : () -> ()
    %mul3A_17 = arith.constant 640 : i32
    %mul3A_18 = arith.muli %arg1, %mul3A_17 : i32
    %add3A_19 = arith.constant 128 : i32
    %add3A_20 = arith.addi %mul3A_18, %add3A_19 : i32
    "tpu.region"() ({
      %run_scoped3A = tpu.sem_alloc : memref<!tpu.dma_semaphore, #tpu.memory_space<semaphore_mem>>
      %dma_start3A = arith.constant 0 : i32
      %dma_start3A_84 = arith.constant 0 : i32
      %dma_start3A_85 = tpu.memref_slice %arg14[%dma_start3A, %dma_start3A_84] : memref<256x64xf32, #tpu.memory_space<vmem>> -> memref<128x64xf32, #tpu.memory_space<vmem>>
      %dma_start3A_86 = arith.constant 0 : i32
      %dma_start3A_87 = tpu.memref_slice %arg20[%add3A_20, %dma_start3A_86] : memref<10240x64xf32, #tpu.memory_space<vmem_shared>> -> memref<128x64xf32, #tpu.memory_space<vmem_shared>>
      %dma_start3A_88 = arith.constant 0 : i32
      %dma_start3A_89 = tpu.memref_slice %arg20[%add3A_20, %dma_start3A_88] : memref<10240x64xf32, #tpu.memory_space<vmem_shared>> -> memref<128x64xf32, #tpu.memory_space<vmem_shared>>
      %dma_start3A_90 = arith.constant 0 : i32
      %dma_start3A_91 = arith.constant 0 : i32
      %dma_start3A_92 = tpu.memref_slice %arg14[%dma_start3A_90, %dma_start3A_91] : memref<256x64xf32, #tpu.memory_space<vmem>> -> memref<128x64xf32, #tpu.memory_space<vmem>>
      tpu.enqueue_dma source(%dma_start3A_92 : memref<128x64xf32, #tpu.memory_space<vmem>>) target(%dma_start3A_89 : memref<128x64xf32, #tpu.memory_space<vmem_shared>>) target_semaphore(%run_scoped3A : memref<!tpu.dma_semaphore, #tpu.memory_space<semaphore_mem>>)
      %dma_wait3A = arith.constant 0 : i32
      %dma_wait3A_93 = arith.constant 0 : i32
      %dma_wait3A_94 = tpu.memref_slice %arg14[%dma_wait3A, %dma_wait3A_93] : memref<256x64xf32, #tpu.memory_space<vmem>> -> memref<128x64xf32, #tpu.memory_space<vmem>>
      %dma_wait3A_95 = arith.constant 0 : i32
      %dma_wait3A_96 = tpu.memref_slice %arg20[%add3A_20, %dma_wait3A_95] : memref<10240x64xf32, #tpu.memory_space<vmem_shared>> -> memref<128x64xf32, #tpu.memory_space<vmem_shared>>
      %dma_wait3A_97 = arith.constant 0 : i32
      %dma_wait3A_98 = tpu.memref_slice %arg20[%add3A_20, %dma_wait3A_97] : memref<10240x64xf32, #tpu.memory_space<vmem_shared>> -> memref<128x64xf32, #tpu.memory_space<vmem_shared>>
      %dma_wait3A_99 = arith.constant 0 : i32
      %dma_wait3A_100 = arith.constant 0 : i32
      %dma_wait3A_101 = tpu.memref_slice %arg14[%dma_wait3A_99, %dma_wait3A_100] : memref<256x64xf32, #tpu.memory_space<vmem>> -> memref<128x64xf32, #tpu.memory_space<vmem>>
      tpu.wait_dma2 semaphore(%run_scoped3A : memref<!tpu.dma_semaphore, #tpu.memory_space<semaphore_mem>>) src(%dma_wait3A_101 : memref<128x64xf32, #tpu.memory_space<vmem>>) dst(%dma_wait3A_98 : memref<128x64xf32, #tpu.memory_space<vmem_shared>>)
      tpu.yield
    }) : () -> ()
    %mul3A_21 = arith.constant 640 : i32
    %mul3A_22 = arith.muli %arg1, %mul3A_21 : i32
    %add3A_23 = arith.constant 256 : i32
    %add3A_24 = arith.addi %mul3A_22, %add3A_23 : i32
    "tpu.region"() ({
      %run_scoped3A = tpu.sem_alloc : memref<!tpu.dma_semaphore, #tpu.memory_space<semaphore_mem>>
      %dma_start3A = arith.constant 0 : i32
      %dma_start3A_84 = arith.constant 0 : i32
      %dma_start3A_85 = tpu.memref_slice %arg14[%dma_start3A, %dma_start3A_84] : memref<256x64xf32, #tpu.memory_space<vmem>> -> memref<128x64xf32, #tpu.memory_space<vmem>>
      %dma_start3A_86 = arith.constant 0 : i32
      %dma_start3A_87 = tpu.memref_slice %arg20[%add3A_24, %dma_start3A_86] : memref<10240x64xf32, #tpu.memory_space<vmem_shared>> -> memref<128x64xf32, #tpu.memory_space<vmem_shared>>
      %dma_start3A_88 = arith.constant 0 : i32
      %dma_start3A_89 = tpu.memref_slice %arg20[%add3A_24, %dma_start3A_88] : memref<10240x64xf32, #tpu.memory_space<vmem_shared>> -> memref<128x64xf32, #tpu.memory_space<vmem_shared>>
      %dma_start3A_90 = arith.constant 0 : i32
      %dma_start3A_91 = arith.constant 0 : i32
      %dma_start3A_92 = tpu.memref_slice %arg14[%dma_start3A_90, %dma_start3A_91] : memref<256x64xf32, #tpu.memory_space<vmem>> -> memref<128x64xf32, #tpu.memory_space<vmem>>
      tpu.enqueue_dma source(%dma_start3A_92 : memref<128x64xf32, #tpu.memory_space<vmem>>) target(%dma_start3A_89 : memref<128x64xf32, #tpu.memory_space<vmem_shared>>) target_semaphore(%run_scoped3A : memref<!tpu.dma_semaphore, #tpu.memory_space<semaphore_mem>>)
      %dma_wait3A = arith.constant 0 : i32
      %dma_wait3A_93 = arith.constant 0 : i32
      %dma_wait3A_94 = tpu.memref_slice %arg14[%dma_wait3A, %dma_wait3A_93] : memref<256x64xf32, #tpu.memory_space<vmem>> -> memref<128x64xf32, #tpu.memory_space<vmem>>
      %dma_wait3A_95 = arith.constant 0 : i32
      %dma_wait3A_96 = tpu.memref_slice %arg20[%add3A_24, %dma_wait3A_95] : memref<10240x64xf32, #tpu.memory_space<vmem_shared>> -> memref<128x64xf32, #tpu.memory_space<vmem_shared>>
      %dma_wait3A_97 = arith.constant 0 : i32
      %dma_wait3A_98 = tpu.memref_slice %arg20[%add3A_24, %dma_wait3A_97] : memref<10240x64xf32, #tpu.memory_space<vmem_shared>> -> memref<128x64xf32, #tpu.memory_space<vmem_shared>>
      %dma_wait3A_99 = arith.constant 0 : i32
      %dma_wait3A_100 = arith.constant 0 : i32
      %dma_wait3A_101 = tpu.memref_slice %arg14[%dma_wait3A_99, %dma_wait3A_100] : memref<256x64xf32, #tpu.memory_space<vmem>> -> memref<128x64xf32, #tpu.memory_space<vmem>>
      tpu.wait_dma2 semaphore(%run_scoped3A : memref<!tpu.dma_semaphore, #tpu.memory_space<semaphore_mem>>) src(%dma_wait3A_101 : memref<128x64xf32, #tpu.memory_space<vmem>>) dst(%dma_wait3A_98 : memref<128x64xf32, #tpu.memory_space<vmem_shared>>)
      tpu.yield
    }) : () -> ()
    %mul3A_25 = arith.constant 640 : i32
    %mul3A_26 = arith.muli %arg1, %mul3A_25 : i32
    %add3A_27 = arith.constant 384 : i32
    %add3A_28 = arith.addi %mul3A_26, %add3A_27 : i32
    "tpu.region"() ({
      %run_scoped3A = tpu.sem_alloc : memref<!tpu.dma_semaphore, #tpu.memory_space<semaphore_mem>>
      %dma_start3A = arith.constant 0 : i32
      %dma_start3A_84 = arith.constant 0 : i32
      %dma_start3A_85 = tpu.memref_slice %arg14[%dma_start3A, %dma_start3A_84] : memref<256x64xf32, #tpu.memory_space<vmem>> -> memref<128x64xf32, #tpu.memory_space<vmem>>
      %dma_start3A_86 = arith.constant 0 : i32
      %dma_start3A_87 = tpu.memref_slice %arg20[%add3A_28, %dma_start3A_86] : memref<10240x64xf32, #tpu.memory_space<vmem_shared>> -> memref<128x64xf32, #tpu.memory_space<vmem_shared>>
      %dma_start3A_88 = arith.constant 0 : i32
      %dma_start3A_89 = tpu.memref_slice %arg20[%add3A_28, %dma_start3A_88] : memref<10240x64xf32, #tpu.memory_space<vmem_shared>> -> memref<128x64xf32, #tpu.memory_space<vmem_shared>>
      %dma_start3A_90 = arith.constant 0 : i32
      %dma_start3A_91 = arith.constant 0 : i32
      %dma_start3A_92 = tpu.memref_slice %arg14[%dma_start3A_90, %dma_start3A_91] : memref<256x64xf32, #tpu.memory_space<vmem>> -> memref<128x64xf32, #tpu.memory_space<vmem>>
      tpu.enqueue_dma source(%dma_start3A_92 : memref<128x64xf32, #tpu.memory_space<vmem>>) target(%dma_start3A_89 : memref<128x64xf32, #tpu.memory_space<vmem_shared>>) target_semaphore(%run_scoped3A : memref<!tpu.dma_semaphore, #tpu.memory_space<semaphore_mem>>)
      %dma_wait3A = arith.constant 0 : i32
      %dma_wait3A_93 = arith.constant 0 : i32
      %dma_wait3A_94 = tpu.memref_slice %arg14[%dma_wait3A, %dma_wait3A_93] : memref<256x64xf32, #tpu.memory_space<vmem>> -> memref<128x64xf32, #tpu.memory_space<vmem>>
      %dma_wait3A_95 = arith.constant 0 : i32
      %dma_wait3A_96 = tpu.memref_slice %arg20[%add3A_28, %dma_wait3A_95] : memref<10240x64xf32, #tpu.memory_space<vmem_shared>> -> memref<128x64xf32, #tpu.memory_space<vmem_shared>>
      %dma_wait3A_97 = arith.constant 0 : i32
      %dma_wait3A_98 = tpu.memref_slice %arg20[%add3A_28, %dma_wait3A_97] : memref<10240x64xf32, #tpu.memory_space<vmem_shared>> -> memref<128x64xf32, #tpu.memory_space<vmem_shared>>
      %dma_wait3A_99 = arith.constant 0 : i32
      %dma_wait3A_100 = arith.constant 0 : i32
      %dma_wait3A_101 = tpu.memref_slice %arg14[%dma_wait3A_99, %dma_wait3A_100] : memref<256x64xf32, #tpu.memory_space<vmem>> -> memref<128x64xf32, #tpu.memory_space<vmem>>
      tpu.wait_dma2 semaphore(%run_scoped3A : memref<!tpu.dma_semaphore, #tpu.memory_space<semaphore_mem>>) src(%dma_wait3A_101 : memref<128x64xf32, #tpu.memory_space<vmem>>) dst(%dma_wait3A_98 : memref<128x64xf32, #tpu.memory_space<vmem_shared>>)
      tpu.yield
    }) : () -> ()
    %mul3A_29 = arith.constant 640 : i32
    %mul3A_30 = arith.muli %arg1, %mul3A_29 : i32
    %add3A_31 = arith.constant 512 : i32
    %add3A_32 = arith.addi %mul3A_30, %add3A_31 : i32
    "tpu.region"() ({
      %run_scoped3A = tpu.sem_alloc : memref<!tpu.dma_semaphore, #tpu.memory_space<semaphore_mem>>
      %dma_start3A = arith.constant 0 : i32
      %dma_start3A_84 = arith.constant 0 : i32
      %dma_start3A_85 = tpu.memref_slice %arg14[%dma_start3A, %dma_start3A_84] : memref<256x64xf32, #tpu.memory_space<vmem>> -> memref<128x64xf32, #tpu.memory_space<vmem>>
      %dma_start3A_86 = arith.constant 0 : i32
      %dma_start3A_87 = tpu.memref_slice %arg20[%add3A_32, %dma_start3A_86] : memref<10240x64xf32, #tpu.memory_space<vmem_shared>> -> memref<128x64xf32, #tpu.memory_space<vmem_shared>>
      %dma_start3A_88 = arith.constant 0 : i32
      %dma_start3A_89 = tpu.memref_slice %arg20[%add3A_32, %dma_start3A_88] : memref<10240x64xf32, #tpu.memory_space<vmem_shared>> -> memref<128x64xf32, #tpu.memory_space<vmem_shared>>
      %dma_start3A_90 = arith.constant 0 : i32
      %dma_start3A_91 = arith.constant 0 : i32
      %dma_start3A_92 = tpu.memref_slice %arg14[%dma_start3A_90, %dma_start3A_91] : memref<256x64xf32, #tpu.memory_space<vmem>> -> memref<128x64xf32, #tpu.memory_space<vmem>>
      tpu.enqueue_dma source(%dma_start3A_92 : memref<128x64xf32, #tpu.memory_space<vmem>>) target(%dma_start3A_89 : memref<128x64xf32, #tpu.memory_space<vmem_shared>>) target_semaphore(%run_scoped3A : memref<!tpu.dma_semaphore, #tpu.memory_space<semaphore_mem>>)
      %dma_wait3A = arith.constant 0 : i32
      %dma_wait3A_93 = arith.constant 0 : i32
      %dma_wait3A_94 = tpu.memref_slice %arg14[%dma_wait3A, %dma_wait3A_93] : memref<256x64xf32, #tpu.memory_space<vmem>> -> memref<128x64xf32, #tpu.memory_space<vmem>>
      %dma_wait3A_95 = arith.constant 0 : i32
      %dma_wait3A_96 = tpu.memref_slice %arg20[%add3A_32, %dma_wait3A_95] : memref<10240x64xf32, #tpu.memory_space<vmem_shared>> -> memref<128x64xf32, #tpu.memory_space<vmem_shared>>
      %dma_wait3A_97 = arith.constant 0 : i32
      %dma_wait3A_98 = tpu.memref_slice %arg20[%add3A_32, %dma_wait3A_97] : memref<10240x64xf32, #tpu.memory_space<vmem_shared>> -> memref<128x64xf32, #tpu.memory_space<vmem_shared>>
      %dma_wait3A_99 = arith.constant 0 : i32
      %dma_wait3A_100 = arith.constant 0 : i32
      %dma_wait3A_101 = tpu.memref_slice %arg14[%dma_wait3A_99, %dma_wait3A_100] : memref<256x64xf32, #tpu.memory_space<vmem>> -> memref<128x64xf32, #tpu.memory_space<vmem>>
      tpu.wait_dma2 semaphore(%run_scoped3A : memref<!tpu.dma_semaphore, #tpu.memory_space<semaphore_mem>>) src(%dma_wait3A_101 : memref<128x64xf32, #tpu.memory_space<vmem>>) dst(%dma_wait3A_98 : memref<128x64xf32, #tpu.memory_space<vmem_shared>>)
      tpu.yield
    }) : () -> ()
    %broadcast_in_dim3A_33 = arith.constant -3.000000e+38 : f32
    %broadcast_in_dim3A_34 = vector.broadcast %broadcast_in_dim3A_33 : f32 to vector<16xf32>
    %swap3A = arith.constant 0 : index
    %swap3A_35 = tpu.vector_load %arg15[%swap3A] {strides = array<i32>} : memref<16xf32, #tpu.memory_space<vmem>>, vector<16xf32>,
    tpu.vector_store %arg15[%swap3A], %broadcast_in_dim3A_34 {strides = array<i32>} : memref<16xf32, #tpu.memory_space<vmem>>, vector<16xf32>,
    %scan3A_36 = arith.constant 0 : i32
    %scan3A_37 = arith.constant 625 : i32
    %scan3A_38 = arith.addi %scan3A_36, %scan3A_37 : i32
    %scan3A_39 = arith.constant 1 : i32
    scf.for %scan3A_84 = %scan3A_36 to %scan3A_38 step %scan3A_39  : i32 {
      %mul3A_85 = arith.constant 16 : i32
      %mul3A_86 = arith.muli %scan3A_84, %mul3A_85 : i32
      %add3A_87 = arith.constant 0 : i32
      %add3A_88 = arith.addi %add3A_87, %mul3A_86 : i32
      %get3A_89 = arith.constant 0 : index
      %get3A_90 = tpu.vector_load %arg15[%get3A_89] {strides = array<i32>} : memref<16xf32, #tpu.memory_space<vmem>>, vector<16xf32>,
      %get3A_91 = arith.index_cast %add3A_88 : i32 to index
      %get3A_92 = tpu.vector_load %arg10[%get3A_91] {strides = array<i32>} : memref<10000xf32, #tpu.memory_space<vmem>>, vector<16xf32>,
      %max3A_93 = arith.maximumf %get3A_90, %get3A_92 : vector<16xf32>
      %swap3A_94 = arith.constant 0 : index
      %swap3A_95 = tpu.vector_load %arg15[%swap3A_94] {strides = array<i32>} : memref<16xf32, #tpu.memory_space<vmem>>, vector<16xf32>,
      tpu.vector_store %arg15[%swap3A_94], %max3A_93 {strides = array<i32>} : memref<16xf32, #tpu.memory_space<vmem>>, vector<16xf32>,
    }
    %scan3A_40 = arith.constant 625 : i32
    %get3A = arith.constant 0 : index
    %get3A_41 = tpu.vector_load %arg15[%get3A] {strides = array<i32>} : memref<16xf32, #tpu.memory_space<vmem>>, vector<16xf32>,
    %reduce_max3A = arith.constant true
    %reduce_max3A_42 = vector.broadcast %reduce_max3A : i1 to vector<16xi1>
    %reduce_max3A_43 = tpu.scan <max>, %get3A_41 masked %reduce_max3A_42 : vector<16xf32>, vector<16xi1> -> vector<16xf32>
    %reduce_max3A_44 = vector.extract %reduce_max3A_43[15] : f32 from vector<16xf32>
    %swap3A_45 = arith.constant 0 : index
    %swap3A_46 = tpu.vector_load %arg15[%swap3A_45] {strides = array<i32>} : memref<16xf32, #tpu.memory_space<vmem>>, vector<16xf32>,
    tpu.vector_store %arg15[%swap3A_45], %broadcast_in_dim3A_34 {strides = array<i32>} : memref<16xf32, #tpu.memory_space<vmem>>, vector<16xf32>,
    %scan3A_47 = arith.constant 0 : i32
    %scan3A_48 = arith.constant 625 : i32
    %scan3A_49 = arith.addi %scan3A_47, %scan3A_48 : i32
    %scan3A_50 = arith.constant 1 : i32
    scf.for %scan3A_84 = %scan3A_47 to %scan3A_49 step %scan3A_50  : i32 {
      %mul3A_85 = arith.constant 16 : i32
      %mul3A_86 = arith.muli %scan3A_84, %mul3A_85 : i32
      %add3A_87 = arith.constant 0 : i32
      %add3A_88 = arith.addi %add3A_87, %mul3A_86 : i32
      %get3A_89 = arith.constant 0 : index
      %get3A_90 = tpu.vector_load %arg15[%get3A_89] {strides = array<i32>} : memref<16xf32, #tpu.memory_space<vmem>>, vector<16xf32>,
      %get3A_91 = arith.index_cast %add3A_88 : i32 to index
      %get3A_92 = tpu.vector_load %arg11[%get3A_91] {strides = array<i32>} : memref<10000xf32, #tpu.memory_space<vmem>>, vector<16xf32>,
      %max3A_93 = arith.maximumf %get3A_90, %get3A_92 : vector<16xf32>
      %swap3A_94 = arith.constant 0 : index
      %swap3A_95 = tpu.vector_load %arg15[%swap3A_94] {strides = array<i32>} : memref<16xf32, #tpu.memory_space<vmem>>, vector<16xf32>,
      tpu.vector_store %arg15[%swap3A_94], %max3A_93 {strides = array<i32>} : memref<16xf32, #tpu.memory_space<vmem>>, vector<16xf32>,
    }
    %scan3A_51 = arith.constant 625 : i32
    %get3A_52 = arith.constant 0 : index
    %get3A_53 = tpu.vector_load %arg15[%get3A_52] {strides = array<i32>} : memref<16xf32, #tpu.memory_space<vmem>>, vector<16xf32>,
    %reduce_max3A_54 = arith.constant true
    %reduce_max3A_55 = vector.broadcast %reduce_max3A_54 : i1 to vector<16xi1>
    %reduce_max3A_56 = tpu.scan <max>, %get3A_53 masked %reduce_max3A_55 : vector<16xf32>, vector<16xi1> -> vector<16xf32>
    %reduce_max3A_57 = vector.extract %reduce_max3A_56[15] : f32 from vector<16xf32>
    %add3A_58 = arith.addf %reduce_max3A_44, %reduce_max3A_57 : f32
    %mul3A_59 = arith.constant 2.000000e-01 : f32
    %mul3A_60 = arith.mulf %mul3A_59, %add3A_58 : f32
    %max3A = arith.maximumf %add3A_58, %mul3A_60 : f32
    %broadcast_in_dim3A_61 = vector.broadcast %max3A : f32 to vector<16xf32>
    %iota3A = tpu.iota {dimensions = array<i32: 0>} : vector<16xi32>
    %mul3A_62 = arith.constant 10752 : i32
    %mul3A_63 = arith.muli %add3A, %mul3A_62 : i32
    %scan3A_64 = arith.constant 0 : i32
    %scan3A_65 = arith.constant 42 : i32
    %scan3A_66 = arith.addi %scan3A_64, %scan3A_65 : i32
    %scan3A_67 = arith.constant 1 : i32
    scf.for %scan3A_84 = %scan3A_64 to %scan3A_66 step %scan3A_67  : i32 {
      %mul3A_85 = arith.constant 1 : i32
      %mul3A_86 = arith.muli %scan3A_84, %mul3A_85 : i32
      %add3A_87 = arith.constant 0 : i32
      %add3A_88 = arith.addi %add3A_87, %mul3A_86 : i32
      %mul3A_89 = arith.constant 256 : i32
      %mul3A_90 = arith.muli %add3A_88, %mul3A_89 : i32
      %add3A_91 = arith.addi %mul3A_63, %mul3A_90 : i32
      %scan3A_92 = arith.constant 0 : i32
      %scan3A_93 = arith.constant 16 : i32
      %scan3A_94 = arith.addi %scan3A_92, %scan3A_93 : i32
      %scan3A_95 = arith.constant 1 : i32
      scf.for %scan3A_97 = %scan3A_92 to %scan3A_94 step %scan3A_95  : i32 {
        %mul3A_98 = arith.constant 16 : i32
        %mul3A_99 = arith.muli %scan3A_97, %mul3A_98 : i32
        %add3A_100 = arith.constant 0 : i32
        %add3A_101 = arith.addi %add3A_100, %mul3A_99 : i32
        %get3A_102 = arith.index_cast %add3A_88 : i32 to index
        %get3A_103 = arith.index_cast %add3A_101 : i32 to index
        %get3A_104 = tpu.vector_load %arg8[%get3A_102, %get3A_103] {strides = array<i32>} : memref<42x256xi32, #tpu.memory_space<vmem>>, vector<16xi32>,
        %get3A_105 = arith.index_cast %add3A_88 : i32 to index
        %get3A_106 = arith.index_cast %add3A_101 : i32 to index
        %get3A_107 = tpu.vector_load %arg9[%get3A_105, %get3A_106] {strides = array<i32>} : memref<42x256xi32, #tpu.memory_space<vmem>>, vector<16xi32>,
        %gather3A = tpu.vector_load_idx %arg10[%get3A_104] : memref<10000xf32, #tpu.memory_space<vmem>>[vector<16xi32>], vector<16xf32>,
        %gather3A_108 = tpu.vector_load_idx %arg11[%get3A_107] : memref<10000xf32, #tpu.memory_space<vmem>>[vector<16xi32>], vector<16xf32>,
        %add3A_109 = arith.addf %gather3A, %gather3A_108 : vector<16xf32>
        %mul3A_110 = arith.constant 2.000000e-01 : f32
        %mul3A_111 = vector.broadcast %mul3A_110 : f32 to vector<16xf32>
        %mul3A_112 = arith.mulf %mul3A_111, %add3A_109 : vector<16xf32>
        %max3A_113 = arith.maximumf %add3A_109, %mul3A_112 : vector<16xf32>
        %sub3A = arith.subf %max3A_113, %broadcast_in_dim3A_61 : vector<16xf32>
        %exp3A = math.exp %sub3A : vector<16xf32>
        %add3A_114 = arith.addi %add3A_91, %add3A_101 : i32
        %broadcast_in_dim3A_115 = vector.broadcast %add3A_114 : i32 to vector<16xi32>
        %add3A_116 = arith.addi %broadcast_in_dim3A_115, %iota3A : vector<16xi32>
        %lt3A = arith.constant 330000 : i32
        %lt3A_117 = vector.broadcast %lt3A : i32 to vector<16xi32>
        %lt3A_118 = arith.cmpi slt, %add3A_116, %lt3A_117 : vector<16xi32>
        %jit3A = arith.constant 0.000000e+00 : f32
        %broadcast_in_dim3A_119 = vector.broadcast %jit3A : f32 to vector<16xf32>
        %select_n3A = arith.select %lt3A_118, %exp3A, %broadcast_in_dim3A_119 : vector<16xi1>, vector<16xf32>
        %swap3A_120 = arith.index_cast %add3A_88 : i32 to index
        %swap3A_121 = arith.index_cast %add3A_101 : i32 to index
        %swap3A_122 = tpu.vector_load %arg12[%swap3A_120, %swap3A_121] {strides = array<i32>} : memref<42x256xf32, #tpu.memory_space<vmem>>, vector<16xf32>,
        tpu.vector_store %arg12[%swap3A_120, %swap3A_121], %select_n3A {strides = array<i32>} : memref<42x256xf32, #tpu.memory_space<vmem>>, vector<16xf32>,
        tpu.vector_store_idx %arg13[%get3A_107], %select_n3A {add = true} : memref<10000xf32, #tpu.memory_space<vmem>>[vector<16xi32>], vector<16xf32>,
      }
      %scan3A_96 = arith.constant 16 : i32
    }
    %scan3A_68 = arith.constant 42 : i32
    %mul3A_69 = arith.constant 10000 : i32
    %mul3A_70 = arith.muli %add3A, %mul3A_69 : i32
    "tpu.region"() ({
      %run_scoped3A = tpu.sem_alloc : memref<!tpu.dma_semaphore, #tpu.memory_space<semaphore_mem>>
      %dma_start3A = tpu.memref_slice %arg7[%mul3A_70] : memref<320000xf32, #tpu.memory_space<hbm>> -> memref<10000xf32, #tpu.memory_space<hbm>>
      %dma_start3A_84 = tpu.memref_slice %arg7[%mul3A_70] : memref<320000xf32, #tpu.memory_space<hbm>> -> memref<10000xf32, #tpu.memory_space<hbm>>
      tpu.enqueue_dma source(%arg13 : memref<10000xf32, #tpu.memory_space<vmem>>) target(%dma_start3A_84 : memref<10000xf32, #tpu.memory_space<hbm>>) target_semaphore(%run_scoped3A : memref<!tpu.dma_semaphore, #tpu.memory_space<semaphore_mem>>)
      %dma_wait3A = tpu.memref_slice %arg7[%mul3A_70] : memref<320000xf32, #tpu.memory_space<hbm>> -> memref<10000xf32, #tpu.memory_space<hbm>>
      %dma_wait3A_85 = tpu.memref_slice %arg7[%mul3A_70] : memref<320000xf32, #tpu.memory_space<hbm>> -> memref<10000xf32, #tpu.memory_space<hbm>>
      tpu.wait_dma2 semaphore(%run_scoped3A : memref<!tpu.dma_semaphore, #tpu.memory_space<semaphore_mem>>) src(%arg13 : memref<10000xf32, #tpu.memory_space<vmem>>) dst(%dma_wait3A_85 : memref<10000xf32, #tpu.memory_space<hbm>>)
      tpu.yield
    }) : () -> ()
    %barrier3A = arith.constant 0 : index
    tpu.barrier barrier_id(%barrier3A)
    %scan3A_71 = arith.constant 0 : i32
    %scan3A_72 = arith.constant 42 : i32
    %scan3A_73 = arith.addi %scan3A_71, %scan3A_72 : i32
    %scan3A_74 = arith.constant 1 : i32
    scf.for %scan3A_84 = %scan3A_71 to %scan3A_73 step %scan3A_74  : i32 {
      %mul3A_85 = arith.constant 1 : i32
      %mul3A_86 = arith.muli %scan3A_84, %mul3A_85 : i32
      %add3A_87 = arith.constant 0 : i32
      %add3A_88 = arith.addi %add3A_87, %mul3A_86 : i32
      "tpu.region"() ({
        %run_scoped3A = tpu.sem_alloc : memref<!tpu.dma_semaphore, #tpu.memory_space<semaphore_mem>>
        %dma_start3A = arith.constant 0 : i32
        %dma_start3A_95 = tpu.memref_slice %arg8[%add3A_88, %dma_start3A] : memref<42x256xi32, #tpu.memory_space<vmem>> -> memref<1x256xi32, #tpu.memory_space<vmem>>
        %dma_start3A_96 = tpu.memref_squeeze %dma_start3A_95 : memref<1x256xi32, #tpu.memory_space<vmem>> -> memref<256xi32, #tpu.memory_space<vmem>>
        %dma_start3A_97 = arith.constant 0 : i32
        %dma_start3A_98 = arith.constant 0 : i32
        %dma_start3A_99 = tpu.memref_slice %arg5[%dma_start3A_97, %dma_start3A_98] : memref<10240x64xf32, #tpu.memory_space<hbm>> -> memref<10240x64xf32, #tpu.memory_space<hbm>>
        tpu.enqueue_indirect_dma source(%dma_start3A_99 : memref<10240x64xf32, #tpu.memory_space<hbm>>) target(%arg14 : memref<256x64xf32, #tpu.memory_space<vmem>>) offsets(%dma_start3A_96 : memref<256xi32, #tpu.memory_space<vmem>>) semaphore(%run_scoped3A : memref<!tpu.dma_semaphore, #tpu.memory_space<semaphore_mem>>)
        %dma_wait3A = arith.constant 0 : i32
        %dma_wait3A_100 = tpu.memref_slice %arg8[%add3A_88, %dma_wait3A] : memref<42x256xi32, #tpu.memory_space<vmem>> -> memref<1x256xi32, #tpu.memory_space<vmem>>
        %dma_wait3A_101 = tpu.memref_squeeze %dma_wait3A_100 : memref<1x256xi32, #tpu.memory_space<vmem>> -> memref<256xi32, #tpu.memory_space<vmem>>
        %dma_wait3A_102 = arith.constant 0 : i32
        %dma_wait3A_103 = arith.constant 0 : i32
        %dma_wait3A_104 = tpu.memref_slice %arg5[%dma_wait3A_102, %dma_wait3A_103] : memref<10240x64xf32, #tpu.memory_space<hbm>> -> memref<10240x64xf32, #tpu.memory_space<hbm>>
        tpu.wait_indirect_dma semaphore(%run_scoped3A : memref<!tpu.dma_semaphore, #tpu.memory_space<semaphore_mem>>) src(%dma_wait3A_104 : memref<10240x64xf32, #tpu.memory_space<hbm>>) dst(%arg14 : memref<256x64xf32, #tpu.memory_space<vmem>>)
        tpu.yield
      }) : () -> ()
      %broadcast_in_dim3A_89 = vector.broadcast %add3A_88 : i32 to vector<16xi32>
      %scan3A_90 = arith.constant 0 : i32
      %scan3A_91 = arith.constant 256 : i32
      %scan3A_92 = arith.addi %scan3A_90, %scan3A_91 : i32
      %scan3A_93 = arith.constant 1 : i32
      scf.for %scan3A_95 = %scan3A_90 to %scan3A_92 step %scan3A_93  : i32 {
        %mul3A_96 = arith.constant 1 : i32
        %mul3A_97 = arith.muli %scan3A_95, %mul3A_96 : i32
        %add3A_98 = arith.constant 0 : i32
        %add3A_99 = arith.addi %add3A_98, %mul3A_97 : i32
        %broadcast_in_dim3A_100 = vector.broadcast %add3A_99 : i32 to vector<16xi32>
        %gather3A = tpu.vector_load_idx %arg12[%broadcast_in_dim3A_89, %broadcast_in_dim3A_100] : memref<42x256xf32, #tpu.memory_space<vmem>>[vector<16xi32>, vector<16xi32>], vector<16xf32>,
        %get3A_101 = arith.index_cast %add3A_99 : i32 to index
        %get3A_102 = arith.constant 0 : index
        %get3A_103 = tpu.vector_load %arg14[%get3A_101, %get3A_102] {strides = array<i32>} : memref<256x64xf32, #tpu.memory_space<vmem>>, vector<16xf32>,
        %mul3A_104 = arith.mulf %get3A_103, %gather3A : vector<16xf32>
        %swap3A_105 = arith.index_cast %add3A_99 : i32 to index
        %swap3A_106 = arith.constant 0 : index
        %swap3A_107 = tpu.vector_load %arg14[%swap3A_105, %swap3A_106] {strides = array<i32>} : memref<256x64xf32, #tpu.memory_space<vmem>>, vector<16xf32>,
        tpu.vector_store %arg14[%swap3A_105, %swap3A_106], %mul3A_104 {strides = array<i32>} : memref<256x64xf32, #tpu.memory_space<vmem>>, vector<16xf32>,
        %get3A_108 = arith.index_cast %add3A_99 : i32 to index
        %get3A_109 = arith.constant 16 : index
        %get3A_110 = tpu.vector_load %arg14[%get3A_108, %get3A_109] {strides = array<i32>} : memref<256x64xf32, #tpu.memory_space<vmem>>, vector<16xf32>,
        %mul3A_111 = arith.mulf %get3A_110, %gather3A : vector<16xf32>
        %swap3A_112 = arith.index_cast %add3A_99 : i32 to index
        %swap3A_113 = arith.constant 16 : index
        %swap3A_114 = tpu.vector_load %arg14[%swap3A_112, %swap3A_113] {strides = array<i32>} : memref<256x64xf32, #tpu.memory_space<vmem>>, vector<16xf32>,
        tpu.vector_store %arg14[%swap3A_112, %swap3A_113], %mul3A_111 {strides = array<i32>} : memref<256x64xf32, #tpu.memory_space<vmem>>, vector<16xf32>,
        %get3A_115 = arith.index_cast %add3A_99 : i32 to index
        %get3A_116 = arith.constant 32 : index
        %get3A_117 = tpu.vector_load %arg14[%get3A_115, %get3A_116] {strides = array<i32>} : memref<256x64xf32, #tpu.memory_space<vmem>>, vector<16xf32>,
        %mul3A_118 = arith.mulf %get3A_117, %gather3A : vector<16xf32>
        %swap3A_119 = arith.index_cast %add3A_99 : i32 to index
        %swap3A_120 = arith.constant 32 : index
        %swap3A_121 = tpu.vector_load %arg14[%swap3A_119, %swap3A_120] {strides = array<i32>} : memref<256x64xf32, #tpu.memory_space<vmem>>, vector<16xf32>,
        tpu.vector_store %arg14[%swap3A_119, %swap3A_120], %mul3A_118 {strides = array<i32>} : memref<256x64xf32, #tpu.memory_space<vmem>>, vector<16xf32>,
        %get3A_122 = arith.index_cast %add3A_99 : i32 to index
        %get3A_123 = arith.constant 48 : index
        %get3A_124 = tpu.vector_load %arg14[%get3A_122, %get3A_123] {strides = array<i32>} : memref<256x64xf32, #tpu.memory_space<vmem>>, vector<16xf32>,
        %mul3A_125 = arith.mulf %get3A_124, %gather3A : vector<16xf32>
        %swap3A_126 = arith.index_cast %add3A_99 : i32 to index
        %swap3A_127 = arith.constant 48 : index
        %swap3A_128 = tpu.vector_load %arg14[%swap3A_126, %swap3A_127] {strides = array<i32>} : memref<256x64xf32, #tpu.memory_space<vmem>>, vector<16xf32>,
        tpu.vector_store %arg14[%swap3A_126, %swap3A_127], %mul3A_125 {strides = array<i32>} : memref<256x64xf32, #tpu.memory_space<vmem>>, vector<16xf32>,
      }
      %scan3A_94 = arith.constant 256 : i32
      "tpu.region"() ({
        %run_scoped3A = tpu.sem_alloc : memref<!tpu.dma_semaphore, #tpu.memory_space<semaphore_mem>>
        %dma_start3A = arith.constant 0 : i32
        %dma_start3A_95 = tpu.memref_slice %arg9[%add3A_88, %dma_start3A] : memref<42x256xi32, #tpu.memory_space<vmem>> -> memref<1x256xi32, #tpu.memory_space<vmem>>
        %dma_start3A_96 = tpu.memref_squeeze %dma_start3A_95 : memref<1x256xi32, #tpu.memory_space<vmem>> -> memref<256xi32, #tpu.memory_space<vmem>>
        %dma_start3A_97 = arith.constant 0 : i32
        %dma_start3A_98 = arith.constant 0 : i32
        %dma_start3A_99 = tpu.memref_slice %arg20[%dma_start3A_97, %dma_start3A_98] : memref<10240x64xf32, #tpu.memory_space<vmem_shared>> -> memref<10240x64xf32, #tpu.memory_space<vmem_shared>>
        tpu.enqueue_indirect_dma source(%arg14 : memref<256x64xf32, #tpu.memory_space<vmem>>) target(%dma_start3A_99 : memref<10240x64xf32, #tpu.memory_space<vmem_shared>>) offsets(%dma_start3A_96 : memref<256xi32, #tpu.memory_space<vmem>>) semaphore(%run_scoped3A : memref<!tpu.dma_semaphore, #tpu.memory_space<semaphore_mem>>) {add = true}
        %dma_wait3A = arith.constant 0 : i32
        %dma_wait3A_100 = tpu.memref_slice %arg9[%add3A_88, %dma_wait3A] : memref<42x256xi32, #tpu.memory_space<vmem>> -> memref<1x256xi32, #tpu.memory_space<vmem>>
        %dma_wait3A_101 = tpu.memref_squeeze %dma_wait3A_100 : memref<1x256xi32, #tpu.memory_space<vmem>> -> memref<256xi32, #tpu.memory_space<vmem>>
        %dma_wait3A_102 = arith.constant 0 : i32
        %dma_wait3A_103 = arith.constant 0 : i32
        %dma_wait3A_104 = tpu.memref_slice %arg20[%dma_wait3A_102, %dma_wait3A_103] : memref<10240x64xf32, #tpu.memory_space<vmem_shared>> -> memref<10240x64xf32, #tpu.memory_space<vmem_shared>>
        tpu.wait_indirect_dma semaphore(%run_scoped3A : memref<!tpu.dma_semaphore, #tpu.memory_space<semaphore_mem>>) src(%arg14 : memref<256x64xf32, #tpu.memory_space<vmem>>) dst(%dma_wait3A_104 : memref<10240x64xf32, #tpu.memory_space<vmem_shared>>)
        tpu.yield
      }) : () -> ()
    }
    %scan3A_75 = arith.constant 42 : i32
    %barrier3A_76 = arith.constant 0 : index
    tpu.barrier barrier_id(%barrier3A_76)
    %mul3A_77 = arith.constant 640 : i32
    %mul3A_78 = arith.muli %arg1, %mul3A_77 : i32
    %mul3A_79 = arith.constant 10240 : i32
    %mul3A_80 = arith.muli %arg0, %mul3A_79 : i32
    %mul3A_81 = arith.constant 640 : i32
    %mul3A_82 = arith.muli %arg1, %mul3A_81 : i32
    %add3A_83 = arith.addi %mul3A_80, %mul3A_82 : i32
    "tpu.region"() ({
      %run_scoped3A = tpu.sem_alloc : memref<!tpu.dma_semaphore, #tpu.memory_space<semaphore_mem>>
      %dma_start3A = arith.constant 0 : i32
      %dma_start3A_84 = tpu.memref_slice %arg6[%add3A_83, %dma_start3A] : memref<20480x64xf32, #tpu.memory_space<hbm>> -> memref<640x64xf32, #tpu.memory_space<hbm>>
      %dma_start3A_85 = arith.constant 0 : i32
      %dma_start3A_86 = tpu.memref_slice %arg20[%mul3A_78, %dma_start3A_85] : memref<10240x64xf32, #tpu.memory_space<vmem_shared>> -> memref<640x64xf32, #tpu.memory_space<vmem_shared>>
      tpu.enqueue_dma source(%dma_start3A_86 : memref<640x64xf32, #tpu.memory_space<vmem_shared>>) target(%dma_start3A_84 : memref<640x64xf32, #tpu.memory_space<hbm>>) target_semaphore(%run_scoped3A : memref<!tpu.dma_semaphore, #tpu.memory_space<semaphore_mem>>)
      %dma_wait3A = arith.constant 0 : i32
      %dma_wait3A_87 = tpu.memref_slice %arg6[%add3A_83, %dma_wait3A] : memref<20480x64xf32, #tpu.memory_space<hbm>> -> memref<640x64xf32, #tpu.memory_space<hbm>>
      %dma_wait3A_88 = arith.constant 0 : i32
      %dma_wait3A_89 = tpu.memref_slice %arg20[%mul3A_78, %dma_wait3A_88] : memref<10240x64xf32, #tpu.memory_space<vmem_shared>> -> memref<640x64xf32, #tpu.memory_space<vmem_shared>>
      tpu.wait_dma2 semaphore(%run_scoped3A : memref<!tpu.dma_semaphore, #tpu.memory_space<semaphore_mem>>) src(%dma_wait3A_89 : memref<640x64xf32, #tpu.memory_space<vmem_shared>>) dst(%dma_wait3A_87 : memref<640x64xf32, #tpu.memory_space<hbm>>)
      tpu.yield
    }) : () -> ()
    return
  }
}

module attributes {stable_mosaic.version = 14 : i64} {
  func.func @_tc_pre_body(%arg0: memref<10000x128xf32, #tpu.memory_space<vmem>>, %arg1: memref<128x64xf32, #tpu.memory_space<vmem>>, %arg2: memref<1x64xf32, #tpu.memory_space<vmem>>, %arg3: memref<1x64xf32, #tpu.memory_space<vmem>>, %arg4: memref<10240x64xf32, #tpu.memory_space<vmem>>, %arg5: memref<2x10000xf32, #tpu.memory_space<vmem>>) attributes {dimension_semantics = [], scalar_prefetch = 0 : i64, scratch_operands = 0 : i64, tpu.core_type = #tpu.core_type<tc>} {
    %get3A = arith.constant 0 : index
    %get3A_0 = arith.constant 0 : index
    %get3A_1 = vector.load %arg0[%get3A, %get3A_0] : memref<10000x128xf32, #tpu.memory_space<vmem>>, vector<10000x128xf32>
    %get3A_2 = arith.constant 0 : index
    %get3A_3 = arith.constant 0 : index
    %get3A_4 = vector.load %arg1[%get3A_2, %get3A_3] : memref<128x64xf32, #tpu.memory_space<vmem>>, vector<128x64xf32>
    %dot_general3A = arith.constant dense<0.000000e+00> : vector<10000x64xf32>
    %dot_general3A_5 = tpu.matmul %get3A_1, %get3A_4, %dot_general3A {dimension_numbers = #tpu.dot_dimension_numbers<[1], [0], [0], [1], [0, 0, 1, 1], [], []>, transpose_lhs_hint = false} : vector<10000x128xf32>, vector<128x64xf32>, vector<10000x64xf32> -> vector<10000x64xf32>
    %swap3A = arith.constant 0 : index
    %swap3A_6 = arith.constant 0 : index
    %swap3A_7 = vector.load %arg4[%swap3A, %swap3A_6] : memref<10240x64xf32, #tpu.memory_space<vmem>>, vector<10000x64xf32>
    tpu.vector_store %arg4[%swap3A, %swap3A_6], %dot_general3A_5 {strides = array<i32>} : memref<10240x64xf32, #tpu.memory_space<vmem>>, vector<10000x64xf32>,
    %broadcast_in_dim3A = arith.constant 0.000000e+00 : f32
    %broadcast_in_dim3A_8 = vector.broadcast %broadcast_in_dim3A : f32 to vector<240x64xf32>
    %swap3A_9 = arith.constant 10000 : index
    %swap3A_10 = arith.constant 0 : index
    %swap3A_11 = vector.load %arg4[%swap3A_9, %swap3A_10] : memref<10240x64xf32, #tpu.memory_space<vmem>>, vector<240x64xf32>
    tpu.vector_store %arg4[%swap3A_9, %swap3A_10], %broadcast_in_dim3A_8 {strides = array<i32>} : memref<10240x64xf32, #tpu.memory_space<vmem>>, vector<240x64xf32>,
    %get3A_12 = arith.constant 0 : index
    %get3A_13 = arith.constant 0 : index
    %get3A_14 = vector.load %arg2[%get3A_12, %get3A_13] : memref<1x64xf32, #tpu.memory_space<vmem>>, vector<1x64xf32>
    %mul3A = vector.broadcast %get3A_14 : vector<1x64xf32> to vector<10000x64xf32>
    %mul3A_15 = arith.mulf %dot_general3A_5, %mul3A : vector<10000x64xf32>
    %reduce_sum3A = arith.constant dense<0.000000e+00> : vector<10000xf32>
    %reduce_sum3A_16 = vector.multi_reduction <add>, %mul3A_15, %reduce_sum3A [1] : vector<10000x64xf32> to vector<10000xf32>
    %get3A_17 = arith.constant 0 : index
    %get3A_18 = arith.constant 0 : index
    %get3A_19 = vector.load %arg3[%get3A_17, %get3A_18] : memref<1x64xf32, #tpu.memory_space<vmem>>, vector<1x64xf32>
    %mul3A_20 = vector.broadcast %get3A_19 : vector<1x64xf32> to vector<10000x64xf32>
    %mul3A_21 = arith.mulf %dot_general3A_5, %mul3A_20 : vector<10000x64xf32>
    %reduce_sum3A_22 = arith.constant dense<0.000000e+00> : vector<10000xf32>
    %reduce_sum3A_23 = vector.multi_reduction <add>, %mul3A_21, %reduce_sum3A_22 [1] : vector<10000x64xf32> to vector<10000xf32>
    %stack3A = vector.shape_cast %reduce_sum3A_16 : vector<10000xf32> to vector<1x10000xf32>
    %stack3A_24 = vector.shape_cast %reduce_sum3A_23 : vector<10000xf32> to vector<1x10000xf32>
    %stack3A_25 = tpu.concatenate %stack3A, %stack3A_24 in 0 : vector<1x10000xf32>, vector<1x10000xf32> -> vector<2x10000xf32>
    %swap3A_26 = arith.constant 0 : index
    %swap3A_27 = arith.constant 0 : index
    %swap3A_28 = vector.load %arg5[%swap3A_26, %swap3A_27] : memref<2x10000xf32, #tpu.memory_space<vmem>>, vector<2x10000xf32>
    tpu.vector_store %arg5[%swap3A_26, %swap3A_27], %stack3A_25 {strides = array<i32>} : memref<2x10000xf32, #tpu.memory_space<vmem>>, vector<2x10000xf32>,
    return
  }
}

module attributes {stable_mosaic.version = 14 : i64} {
  func.func @_tc_mid_body(%arg0: memref<20480x64xf32, #tpu.memory_space<vmem>>, %arg1: memref<32x10000xf32, #tpu.memory_space<vmem>>, %arg2: memref<1x64xf32, #tpu.memory_space<vmem>>, %arg3: memref<64x64xf32, #tpu.memory_space<vmem>>, %arg4: memref<1x64xf32, #tpu.memory_space<vmem>>, %arg5: memref<1x64xf32, #tpu.memory_space<vmem>>, %arg6: memref<10240x64xf32, #tpu.memory_space<vmem>>, %arg7: memref<2x10000xf32, #tpu.memory_space<vmem>>) attributes {dimension_semantics = [], scalar_prefetch = 0 : i64, scratch_operands = 0 : i64, tpu.core_type = #tpu.core_type<tc>} {
    %get3A = arith.constant 0 : index
    %get3A_0 = arith.constant 0 : index
    %get3A_1 = vector.load %arg0[%get3A, %get3A_0] : memref<20480x64xf32, #tpu.memory_space<vmem>>, vector<10000x64xf32>
    %get3A_2 = arith.constant 10240 : index
    %get3A_3 = arith.constant 0 : index
    %get3A_4 = vector.load %arg0[%get3A_2, %get3A_3] : memref<20480x64xf32, #tpu.memory_space<vmem>>, vector<10000x64xf32>
    %add3A = arith.addf %get3A_1, %get3A_4 : vector<10000x64xf32>
    %get3A_5 = arith.constant 0 : index
    %get3A_6 = arith.constant 0 : index
    %get3A_7 = vector.load %arg1[%get3A_5, %get3A_6] : memref<32x10000xf32, #tpu.memory_space<vmem>>, vector<32x10000xf32>
    %reduce_sum3A = arith.constant dense<0.000000e+00> : vector<10000xf32>
    %reduce_sum3A_8 = vector.multi_reduction <add>, %get3A_7, %reduce_sum3A [0] : vector<32x10000xf32> to vector<10000xf32>
    %add3A_9 = arith.constant 1.000000e-16 : f32
    %add3A_10 = vector.broadcast %add3A_9 : f32 to vector<10000xf32>
    %add3A_11 = arith.addf %reduce_sum3A_8, %add3A_10 : vector<10000xf32>
    %broadcast_in_dim3A = vector.shape_cast %add3A_11 : vector<10000xf32> to vector<10000x1xf32>
    %div3A = vector.broadcast %broadcast_in_dim3A : vector<10000x1xf32> to vector<10000x64xf32>
    %div3A_12 = arith.divf %add3A, %div3A : vector<10000x64xf32>
    %get3A_13 = arith.constant 0 : index
    %get3A_14 = arith.constant 0 : index
    %get3A_15 = vector.load %arg2[%get3A_13, %get3A_14] : memref<1x64xf32, #tpu.memory_space<vmem>>, vector<1x64xf32>
    %add3A_16 = vector.broadcast %get3A_15 : vector<1x64xf32> to vector<10000x64xf32>
    %add3A_17 = arith.addf %div3A_12, %add3A_16 : vector<10000x64xf32>
    %max3A = arith.constant 0.000000e+00 : f32
    %max3A_18 = vector.broadcast %max3A : f32 to vector<10000x64xf32>
    %max3A_19 = arith.maximumf %add3A_17, %max3A_18 : vector<10000x64xf32>
    %get3A_20 = arith.constant 0 : index
    %get3A_21 = arith.constant 0 : index
    %get3A_22 = vector.load %arg3[%get3A_20, %get3A_21] : memref<64x64xf32, #tpu.memory_space<vmem>>, vector<64x64xf32>
    %dot_general3A = arith.constant dense<0.000000e+00> : vector<10000x64xf32>
    %dot_general3A_23 = tpu.matmul %max3A_19, %get3A_22, %dot_general3A {dimension_numbers = #tpu.dot_dimension_numbers<[1], [0], [0], [1], [0, 0, 1, 1], [], []>, transpose_lhs_hint = false} : vector<10000x64xf32>, vector<64x64xf32>, vector<10000x64xf32> -> vector<10000x64xf32>
    %swap3A = arith.constant 0 : index
    %swap3A_24 = arith.constant 0 : index
    %swap3A_25 = vector.load %arg6[%swap3A, %swap3A_24] : memref<10240x64xf32, #tpu.memory_space<vmem>>, vector<10000x64xf32>
    tpu.vector_store %arg6[%swap3A, %swap3A_24], %dot_general3A_23 {strides = array<i32>} : memref<10240x64xf32, #tpu.memory_space<vmem>>, vector<10000x64xf32>,
    %broadcast_in_dim3A_26 = arith.constant 0.000000e+00 : f32
    %broadcast_in_dim3A_27 = vector.broadcast %broadcast_in_dim3A_26 : f32 to vector<240x64xf32>
    %swap3A_28 = arith.constant 10000 : index
    %swap3A_29 = arith.constant 0 : index
    %swap3A_30 = vector.load %arg6[%swap3A_28, %swap3A_29] : memref<10240x64xf32, #tpu.memory_space<vmem>>, vector<240x64xf32>
    tpu.vector_store %arg6[%swap3A_28, %swap3A_29], %broadcast_in_dim3A_27 {strides = array<i32>} : memref<10240x64xf32, #tpu.memory_space<vmem>>, vector<240x64xf32>,
    %get3A_31 = arith.constant 0 : index
    %get3A_32 = arith.constant 0 : index
    %get3A_33 = vector.load %arg4[%get3A_31, %get3A_32] : memref<1x64xf32, #tpu.memory_space<vmem>>, vector<1x64xf32>
    %mul3A = vector.broadcast %get3A_33 : vector<1x64xf32> to vector<10000x64xf32>
    %mul3A_34 = arith.mulf %dot_general3A_23, %mul3A : vector<10000x64xf32>
    %reduce_sum3A_35 = arith.constant dense<0.000000e+00> : vector<10000xf32>
    %reduce_sum3A_36 = vector.multi_reduction <add>, %mul3A_34, %reduce_sum3A_35 [1] : vector<10000x64xf32> to vector<10000xf32>
    %get3A_37 = arith.constant 0 : index
    %get3A_38 = arith.constant 0 : index
    %get3A_39 = vector.load %arg5[%get3A_37, %get3A_38] : memref<1x64xf32, #tpu.memory_space<vmem>>, vector<1x64xf32>
    %mul3A_40 = vector.broadcast %get3A_39 : vector<1x64xf32> to vector<10000x64xf32>
    %mul3A_41 = arith.mulf %dot_general3A_23, %mul3A_40 : vector<10000x64xf32>
    %reduce_sum3A_42 = arith.constant dense<0.000000e+00> : vector<10000xf32>
    %reduce_sum3A_43 = vector.multi_reduction <add>, %mul3A_41, %reduce_sum3A_42 [1] : vector<10000x64xf32> to vector<10000xf32>
    %stack3A = vector.shape_cast %reduce_sum3A_36 : vector<10000xf32> to vector<1x10000xf32>
    %stack3A_44 = vector.shape_cast %reduce_sum3A_43 : vector<10000xf32> to vector<1x10000xf32>
    %stack3A_45 = tpu.concatenate %stack3A, %stack3A_44 in 0 : vector<1x10000xf32>, vector<1x10000xf32> -> vector<2x10000xf32>
    %swap3A_46 = arith.constant 0 : index
    %swap3A_47 = arith.constant 0 : index
    %swap3A_48 = vector.load %arg7[%swap3A_46, %swap3A_47] : memref<2x10000xf32, #tpu.memory_space<vmem>>, vector<2x10000xf32>
    tpu.vector_store %arg7[%swap3A_46, %swap3A_47], %stack3A_45 {strides = array<i32>} : memref<2x10000xf32, #tpu.memory_space<vmem>>, vector<2x10000xf32>,
    return
  }
}

module attributes {stable_mosaic.version = 14 : i64} {
  func.func @_tc_head_body(%arg0: memref<20480x64xf32, #tpu.memory_space<vmem>>, %arg1: memref<32x10000xf32, #tpu.memory_space<vmem>>, %arg2: memref<1x64xf32, #tpu.memory_space<vmem>>, %arg3: memref<1x10000xi32, #tpu.memory_space<vmem>>, %arg4: memref<64x32xf32, #tpu.memory_space<vmem>>, %arg5: memref<1x32xf32, #tpu.memory_space<vmem>>, %arg6: memref<32x10xf32, #tpu.memory_space<vmem>>, %arg7: memref<1x10xf32, #tpu.memory_space<vmem>>, %arg8: memref<64x10xf32, #tpu.memory_space<vmem>>) attributes {dimension_semantics = [], scalar_prefetch = 0 : i64, scratch_operands = 0 : i64, tpu.core_type = #tpu.core_type<tc>} {
    %get3A = arith.constant 0 : index
    %get3A_0 = arith.constant 0 : index
    %get3A_1 = vector.load %arg0[%get3A, %get3A_0] : memref<20480x64xf32, #tpu.memory_space<vmem>>, vector<10000x64xf32>
    %get3A_2 = arith.constant 10240 : index
    %get3A_3 = arith.constant 0 : index
    %get3A_4 = vector.load %arg0[%get3A_2, %get3A_3] : memref<20480x64xf32, #tpu.memory_space<vmem>>, vector<10000x64xf32>
    %add3A = arith.addf %get3A_1, %get3A_4 : vector<10000x64xf32>
    %get3A_5 = arith.constant 0 : index
    %get3A_6 = arith.constant 0 : index
    %get3A_7 = vector.load %arg1[%get3A_5, %get3A_6] : memref<32x10000xf32, #tpu.memory_space<vmem>>, vector<32x10000xf32>
    %reduce_sum3A = arith.constant dense<0.000000e+00> : vector<10000xf32>
    %reduce_sum3A_8 = vector.multi_reduction <add>, %get3A_7, %reduce_sum3A [0] : vector<32x10000xf32> to vector<10000xf32>
    %add3A_9 = arith.constant 1.000000e-16 : f32
    %add3A_10 = vector.broadcast %add3A_9 : f32 to vector<10000xf32>
    %add3A_11 = arith.addf %reduce_sum3A_8, %add3A_10 : vector<10000xf32>
    %broadcast_in_dim3A = vector.shape_cast %add3A_11 : vector<10000xf32> to vector<10000x1xf32>
    %div3A = vector.broadcast %broadcast_in_dim3A : vector<10000x1xf32> to vector<10000x64xf32>
    %div3A_12 = arith.divf %add3A, %div3A : vector<10000x64xf32>
    %get3A_13 = arith.constant 0 : index
    %get3A_14 = arith.constant 0 : index
    %get3A_15 = vector.load %arg2[%get3A_13, %get3A_14] : memref<1x64xf32, #tpu.memory_space<vmem>>, vector<1x64xf32>
    %add3A_16 = vector.broadcast %get3A_15 : vector<1x64xf32> to vector<10000x64xf32>
    %add3A_17 = arith.addf %div3A_12, %add3A_16 : vector<10000x64xf32>
    %iota3A = tpu.iota {dimensions = array<i32: 0>} : vector<64x10000xi32>
    %get3A_18 = arith.constant 0 : index
    %get3A_19 = arith.constant 0 : index
    %get3A_20 = vector.load %arg3[%get3A_18, %get3A_19] : memref<1x10000xi32, #tpu.memory_space<vmem>>, vector<1x10000xi32>
    %eq3A = vector.broadcast %get3A_20 : vector<1x10000xi32> to vector<64x10000xi32>
    %eq3A_21 = arith.cmpi eq, %iota3A, %eq3A : vector<64x10000xi32>
    %convert_element_type3A = arith.extui %eq3A_21 : vector<64x10000xi1> to vector<64x10000xi32>
    %convert_element_type3A_22 = arith.sitofp %convert_element_type3A : vector<64x10000xi32> to vector<64x10000xf32>
    %dot_general3A = arith.constant dense<0.000000e+00> : vector<64x64xf32>
    %dot_general3A_23 = tpu.matmul %convert_element_type3A_22, %add3A_17, %dot_general3A {dimension_numbers = #tpu.dot_dimension_numbers<[1], [0], [0], [1], [0, 0, 1, 1], [], []>, transpose_lhs_hint = false} : vector<64x10000xf32>, vector<10000x64xf32>, vector<64x64xf32> -> vector<64x64xf32>
    %reduce_sum3A_24 = arith.constant dense<0.000000e+00> : vector<64xf32>
    %reduce_sum3A_25 = vector.multi_reduction <add>, %convert_element_type3A_22, %reduce_sum3A_24 [1] : vector<64x10000xf32> to vector<64xf32>
    %max3A = arith.constant 1.000000e+00 : f32
    %max3A_26 = vector.broadcast %max3A : f32 to vector<64xf32>
    %max3A_27 = arith.maximumf %reduce_sum3A_25, %max3A_26 : vector<64xf32>
    %broadcast_in_dim3A_28 = vector.shape_cast %max3A_27 : vector<64xf32> to vector<64x1xf32>
    %div3A_29 = vector.broadcast %broadcast_in_dim3A_28 : vector<64x1xf32> to vector<64x64xf32>
    %div3A_30 = arith.divf %dot_general3A_23, %div3A_29 : vector<64x64xf32>
    %get3A_31 = arith.constant 0 : index
    %get3A_32 = arith.constant 0 : index
    %get3A_33 = vector.load %arg4[%get3A_31, %get3A_32] : memref<64x32xf32, #tpu.memory_space<vmem>>, vector<64x32xf32>
    %dot_general3A_34 = arith.constant dense<0.000000e+00> : vector<64x32xf32>
    %dot_general3A_35 = tpu.matmul %div3A_30, %get3A_33, %dot_general3A_34 {dimension_numbers = #tpu.dot_dimension_numbers<[1], [0], [0], [1], [0, 0, 1, 1], [], []>, transpose_lhs_hint = false} : vector<64x64xf32>, vector<64x32xf32>, vector<64x32xf32> -> vector<64x32xf32>
    %get3A_36 = arith.constant 0 : index
    %get3A_37 = arith.constant 0 : index
    %get3A_38 = vector.load %arg5[%get3A_36, %get3A_37] : memref<1x32xf32, #tpu.memory_space<vmem>>, vector<1x32xf32>
    %add3A_39 = vector.broadcast %get3A_38 : vector<1x32xf32> to vector<64x32xf32>
    %add3A_40 = arith.addf %dot_general3A_35, %add3A_39 : vector<64x32xf32>
    %max3A_41 = arith.constant 0.000000e+00 : f32
    %max3A_42 = vector.broadcast %max3A_41 : f32 to vector<64x32xf32>
    %max3A_43 = arith.maximumf %add3A_40, %max3A_42 : vector<64x32xf32>
    %get3A_44 = arith.constant 0 : index
    %get3A_45 = arith.constant 0 : index
    %get3A_46 = vector.load %arg6[%get3A_44, %get3A_45] : memref<32x10xf32, #tpu.memory_space<vmem>>, vector<32x10xf32>
    %dot_general3A_47 = arith.constant dense<0.000000e+00> : vector<64x10xf32>
    %dot_general3A_48 = tpu.matmul %max3A_43, %get3A_46, %dot_general3A_47 {dimension_numbers = #tpu.dot_dimension_numbers<[1], [0], [0], [1], [0, 0, 1, 1], [], []>, transpose_lhs_hint = false} : vector<64x32xf32>, vector<32x10xf32>, vector<64x10xf32> -> vector<64x10xf32>
    %get3A_49 = arith.constant 0 : index
    %get3A_50 = arith.constant 0 : index
    %get3A_51 = vector.load %arg7[%get3A_49, %get3A_50] : memref<1x10xf32, #tpu.memory_space<vmem>>, vector<1x10xf32>
    %add3A_52 = vector.broadcast %get3A_51 : vector<1x10xf32> to vector<64x10xf32>
    %add3A_53 = arith.addf %dot_general3A_48, %add3A_52 : vector<64x10xf32>
    %reduce_max3A = arith.constant dense<0xFF800000> : vector<64xf32>
    %reduce_max3A_54 = vector.multi_reduction <maximumf>, %add3A_53, %reduce_max3A [1] : vector<64x10xf32> to vector<64xf32>
    %broadcast_in_dim3A_55 = vector.shape_cast %reduce_max3A_54 : vector<64xf32> to vector<64x1xf32>
    %sub3A = vector.broadcast %broadcast_in_dim3A_55 : vector<64x1xf32> to vector<64x10xf32>
    %sub3A_56 = arith.subf %add3A_53, %sub3A : vector<64x10xf32>
    %exp3A = math.exp %sub3A_56 : vector<64x10xf32>
    %reduce_sum3A_57 = arith.constant dense<0.000000e+00> : vector<64xf32>
    %reduce_sum3A_58 = vector.multi_reduction <add>, %exp3A, %reduce_sum3A_57 [1] : vector<64x10xf32> to vector<64xf32>
    %broadcast_in_dim3A_59 = vector.shape_cast %reduce_sum3A_58 : vector<64xf32> to vector<64x1xf32>
    %log3A = math.log %broadcast_in_dim3A_59 : vector<64x1xf32>
    %sub3A_60 = vector.broadcast %log3A : vector<64x1xf32> to vector<64x10xf32>
    %sub3A_61 = arith.subf %sub3A_56, %sub3A_60 : vector<64x10xf32>
    %swap3A = arith.constant 0 : index
    %swap3A_62 = arith.constant 0 : index
    %swap3A_63 = vector.load %arg8[%swap3A, %swap3A_62] : memref<64x10xf32, #tpu.memory_space<vmem>>, vector<64x10xf32>
    tpu.vector_store %arg8[%swap3A, %swap3A_62], %sub3A_61 {strides = array<i32>} : memref<64x10xf32, #tpu.memory_space<vmem>>, vector<64x10xf32>,
    return
  }
}

</mosaic_0001>

<sc_bundles>
// kernel: kernel.10.cloned.1.call-start
scs
__scs_entry_jumppad:
0x0: {  	(pc) =	sbr.rel $0x88, $3  }
0x1: {  	(tag) =	ssettag $0x0;
	lr =	simm.s32 $0x1  }
0x2: {  	[smem:$0x3F92] =	sst lr;
	_ =	strace $0xD0000000  }
0x3: {  	_ = 	snop  }
0x4: {  	_ = 	snop  }
0x5: {  	_ = 	snop  }
0x6: {  	_ = 	snop  }
0x7: {  	_ = 	snop  }
__scs_overlays_trampoline_lowered:
0x8: {  	[smem:$0x3FA1] =	sst s0  }
0x9: {  	[smem:$0x3FA2] =	sst s1  }
0xa: {  	[smem:$0x3FA3] =	sst s2  }
0xb: {  	[smem:$0x3FA4] =	sst s3  }
0xc: {  	[smem:$0x3FA5] =	sst s4  }
0xd: {  	[smem:$0x3FA6] =	sst s5  }
0xe: {  	[smem:$0x3FA7] =	sst s6  }
0xf: {  	[smem:$0x3FA8] =	sst s7  }
0x10: {  	[smem:$0x3FA9] =	sst s8  }
0x11: {  	[smem:$0x3FAA] =	sst s9;
	s0 =	simm.s32 @!p0 $0x0  }
0x12: {  	s1 =	sld [smem:$0x3F90];
	s0 =	simm.s32 @p0 $0x1  }
0x13: {  	[smem:$0x3FAB] =	sst s0;
	s0 =	simm.s32 @!p1 $0x0  }
0x14: {  	s2 =	sld [smem:$0x3F8F];
	s0 =	simm.s32 @p1 $0x1  }
0x15: {  	[smem:$0x3FAC] =	sst s0;
	s0 =	simm.s32 @!p2 $0x0  }
0x16: {  	s3 =	sld [smem:$0x3FDB];
	s0 =	simm.s32 @p2 $0x1  }
0x17: {  	s4 =	simm.s32 $0x1BF5;
	[smem:$0x3FAE] =	sst s0  }
0x18: {  	s0 =	sld [smem:$0x3F91];
	_ =	swait.ge [sflag:s4], $0x0  }
0x19: {  	s7 =	sld [smem:$0x3F92]  }
0x1a: {  	s8 =	sadd.s32 $0xFFFFE003, lr  }
0x1b: {  	s9 =	sadd.s32 $0xFFFFFEF7, lr;
	s5 =	simm.s32 $0xFFFFFFFF;
	p2 =	slt.u32 s8, $0xFFFFF086  }
0x1c: {  	p1 =	slt.u32 s9, $0xF7A;
	s5 =	simm.s32 @!p2 $0x0  }
0x1d: {  	s5 =	simm.s32 @p1 $0x1;
	p0 =	seq.s32 s7, s2  }
0x1e: {  	s7 =	smul.u32 @!p0 $0xF7A, s2;
	p2 =	seq.s32 @!p0 s5, $0x0  }
0x1f: {  	s9 =	smul.u32 $0xF7A, s1;
	s8 =	simm.s32 @!p0 $0x1BF5;
	p2 =	por !p2, p0  }
0x20: {  	[sflag:s8] =	ssyncset.s32 @!p0 $0xFFFFF086;
	s6 =	sadd.s32 @!p0 s3, s7;
	s7 =	simm.s32 @!p0 $0x108  }
0x21: {  	s3 =	sadd.s32 s3, s9;
	s6 =	sadd.s32 @!p0 $0x88, s6;
	s7 =	simm.s32 @p2 $0x1082  }
0x22: {  	[simem:s7], [sflag:s8] =	dma.local @!p0 [hbm:s6], $0xF7A  }
0x23: {  	s9 =	sor.u32 $0xD0000000, s2;
	s6 =	simm.s32 $0x108;
	_ =	swait.ge @!p0 [sflag:s8], $0x0  }
0x24: {  	s3 =	sadd.s32 $0x88, s3;
	s6 =	simm.s32 @!p1 $0x1082;
	[sflag:s4] =	ssyncset.s32 $0xFFFFF086  }
0x25: {  	[simem:s6], [sflag:s4] =	dma.local [hbm:s3], $0xF7A  }
0x26: {  	[smem:$0x3F92] =	sst s1;
	(tag) =	ssettag s2;
	_ =	strace s9  }
0x27: {  	s1 =	sld [smem:$0x3FA2]  }
0x28: {  	s2 =	sld [smem:$0x3FA3]  }
0x29: {  	s4 =	sld [smem:$0x3FA5]  }
0x2a: {  	p0 =	seq.s32 s5, $0x0;
	s5 =	sld [smem:$0x3FA6]  }
0x2b: {  	s6 =	sld [smem:$0x3FA7]  }
0x2c: {  	s7 =	sld [smem:$0x3FA8]  }
0x2d: {  	s3 =	simm.s32 $0x108;
	s8 =	sld [smem:$0x3FA9]  }
0x2e: {  	s3 =	simm.s32 @!p0 $0x1082;
	s9 =	sld [smem:$0x3FAA]  }
0x2f: {  	lr =	sadd.s32 s0, s3;
	s0 =	sld [smem:$0x3FA1]  }
0x30: {  	s3 =	sld [smem:$0x3FA4]  }
0x31: {  	[smem:$0x3FAD] =	sst s10  }
0x32: {  	s10 =	sld [smem:$0x3FAB];
	_ =	sdelay $0x3  }
0x33: {  	p0 =	seq.s32 s10, $0x1;
	s10 =	sld [smem:$0x3FAD];
	_ =	sdelay $0x3  }
0x34: {  	[smem:$0x3FAD] =	sst s10  }
0x35: {  	s10 =	sld [smem:$0x3FAC];
	_ =	sdelay $0x3  }
0x36: {  	p1 =	seq.s32 s10, $0x1;
	s10 =	sld [smem:$0x3FAD];
	_ =	sdelay $0x3  }
0x37: {  	[smem:$0x3FAD] =	sst s10  }
0x38: {  	s10 =	sld [smem:$0x3FAE]  }
0x39: {  	_ = 	snop;
	(pc) =	sbr.ind lr, $3  }
0x3a: {  	_ = 	snop  }
0x3b: {  	_ = 	snop  }
0x3c: {  	p2 =	seq.s32 s10, $0x1;
	s10 =	sld [smem:$0x3FAD]  }
0x3d: {  	_ =	shalt  }
0x3e: {  	_ =	shalt  }
0x3f: {  	_ =	shalt  }
0x40: {  	_ =	shalt  }
0x41: {  	_ =	shalt  }
0x42: {  	_ =	shalt  }
0x43: {  	_ =	shalt  }
0x44: {  	_ =	shalt  }
0x45: {  	_ =	shalt  }
0x46: {  	_ =	shalt  }
0x47: {  	_ =	shalt  }
0x48: {  	_ =	shalt  }
0x49: {  	_ =	shalt  }
0x4a: {  	_ =	shalt  }
0x4b: {  	_ =	shalt  }
0x4c: {  	_ =	shalt  }
0x4d: {  	_ =	shalt  }
0x4e: {  	_ =	shalt  }
0x4f: {  	_ =	shalt  }
0x50: {  	_ =	shalt  }
0x51: {  	_ =	shalt  }
0x52: {  	_ =	shalt  }
0x53: {  	_ =	shalt  }
0x54: {  	_ =	shalt  }
0x55: {  	_ =	shalt  }
0x56: {  	_ =	shalt  }
0x57: {  	_ =	shalt  }
0x58: {  	_ =	shalt  }
0x59: {  	_ =	shalt  }
0x5a: {  	_ =	shalt  }
0x5b: {  	_ =	shalt  }
0x5c: {  	_ =	shalt  }
0x5d: {  	_ =	shalt  }
0x5e: {  	_ =	shalt  }
0x5f: {  	_ =	shalt  }
0x60: {  	_ =	shalt  }
0x61: {  	_ =	shalt  }
0x62: {  	_ =	shalt  }
0x63: {  	_ =	shalt  }
0x64: {  	_ =	shalt  }
0x65: {  	_ =	shalt  }
0x66: {  	_ =	shalt  }
0x67: {  	_ =	shalt  }
0x68: {  	_ =	shalt  }
0x69: {  	_ =	shalt  }
0x6a: {  	_ =	shalt  }
0x6b: {  	_ =	shalt  }
0x6c: {  	_ =	shalt  }
0x6d: {  	_ =	shalt  }
0x6e: {  	_ =	shalt  }
0x6f: {  	_ =	shalt  }
0x70: {  	_ =	shalt  }
0x71: {  	_ =	shalt  }
0x72: {  	_ =	shalt  }
0x73: {  	_ =	shalt  }
0x74: {  	_ =	shalt  }
0x75: {  	_ =	shalt  }
0x76: {  	_ =	shalt  }
0x77: {  	_ =	shalt  }
0x78: {  	_ =	shalt  }
0x79: {  	_ =	shalt  }
0x7a: {  	_ =	shalt  }
0x7b: {  	_ =	shalt  }
0x7c: {  	_ =	shalt  }
0x7d: {  	_ =	shalt  }
0x7e: {  	_ =	shalt  }
0x7f: {  	_ =	shalt  }
0x80: {  	_ =	shalt  }
0x81: {  	_ =	shalt  }
0x82: {  	_ =	shalt  }
0x83: {  	_ =	shalt  }
0x84: {  	_ =	shalt  }
0x85: {  	_ =	shalt  }
0x86: {  	_ =	shalt  }
0x87: {  	_ =	shalt  }
.Lfunc_end0:
.L_simem_size_0:
called_computation.1_lowered:
.L_overlay_start_0:
0x88: {  	s2 =	sld [smem:$0x3FD9]  }
0x89: {  	s3 =	sld [smem:$0x3FFE];
	_ =	sdelay $0x1  }
0x8a: {  	s1 =	srdreg.scid  }
0x8b: {  	s0 =	sand.u32 $0x1, s1  }
0x8c: {  	s16 =	sshll.u32 s0, $0xA;
	s2 =	sadd.s32 s3, s2  }
0x8d: {  	s2 =	sadd.s32 s2, s16  }
0x8e: {  	[smem:$0x3FB9] =	sst s2  }
0x8f: {  	_ = 	snop  }
0x90: {  	(tm) =	ssettm $0x1  }
0x91: {  	s17 =	sld [smem:$0x3FFB];
	_ =	sdelay $0x3  }
0x92: {  	_ =	strace s17  }
0x93: {  	s2 =	sld [smem:$0x3FFC];
	_ =	sdelay $0x3  }
0x94: {  	_ =	strace s2  }
0x95: {  	s2 =	sld [smem:$0x3FFD];
	_ =	sdelay $0x3  }
0x96: {  	_ =	strace s2  }
0x97: {  	_ =	strace $0x8FFFFFFF  }
0x98: {  	s18 =	sld [smem:$0x3FDB];
	_ =	sdelay $0x1  }
0x99: {  	s19 =	simm.s32 $_scs_section_size  }
0x9a: {  	s4 =	simm.s32 $_size__tile_overlayer_lowered;
	s5 =	simm.s32 $_tile_overlayer_lowered  }
0x9b: {  	s22 =	simm.s32 $0x1BFF;
	s21 =	sshll.u32 s5, $0x1;
	s2 =	sadd.s32 s19, s18  }
0x9c: {  	s6 =	simm.s32 $0x0;
	s20 =	sshll.u32 s4, $0x1;
	s4 =	sadd.s32 s21, s2  }
0x9d: {  	[timem:s6], [sflag:s22] =	dma.local [hbm:s4], s20  }
0x9e: {  	_ =	swait.ge [sflag:s22], s20  }
0x9f: {  	s3 =	ssub.s32 $0x0, s20;
	[sflag:s22] =	ssyncset.done $0x0  }
0xa0: {  	[sflag:s22] =	ssyncadd.s32 s3;
	_ =	sdelay $0x1  }
0xa1: {  	s23 =	simm.s32 $0x1B8B  }
0xa2: {  	_ =	swait.ge [sflag:s23], $0x1  }
0xa3: {  	[sflag:s23] =	ssyncset.done $0x0  }
0xa4: {  	s25 =	simm.s32 $0x1B8E;
	s24 =	sld [smem:$0x3FFE];
	[sflag:s23] =	ssyncadd.s32 $0xFFFFFFFF  }
0xa5: {  	s26 =	simm.s32 $execute0_lowered;
	[smem:$0x3FD2] =	sst s25  }
0xa6: {  	s4 =	sshll.u32 s26, $0x1;
	_ =	strace $0x80000049;
	[dreg:$0x1] =	wrdreg $0xFFFFFFFF  }
0xa7: {  	s28 =	simm.s32 $_size_execute0_lowered;
	s2 =	sadd.s32 s2, s4;
	[dreg:$0x0] =	wrdreg $0x0  }
0xa8: {  	s4 =	sshll.u32 s28, $0x1;
	[dreg:$0x2] =	wrdreg s2  }
0xa9: {  	[dreg:$0x3] =	wrdreg s4  }
0xaa: {  	[dreg:$0x4] =	wrdreg $0xC0  }
0xab: {  	_ =	task [dreg:s6], $0x5FFFF  }
0xac: {  	[dreg:$0x1] =	wrdreg $0xFFFFFFFF  }
0xad: {  	[dreg:$0x0] =	wrdreg $0x60  }
0xae: {  	[dreg:$0x2] =	wrdreg s24  }
0xaf: {  	[dreg:$0x3] =	wrdreg $0x133400  }
0xb0: {  	[dreg:$0x4] =	wrdreg $0x9  }
0xb1: {  	_ =	task.clear_ibuf [dreg:s6], $0x5FFFF;
	_ =	strace $0x90000049  }
0xb2: {  	s29 =	simm.s32 $0x9;
	_ =	strace $0x8000004B  }
0xb3: {  	_ =	swait.ge [sflag:s29], $0x1  }
0xb4: {  	[sflag:s29] =	ssyncadd.s32 $0xFFFFFFFF  }
0xb5: {  	_ =	strace $0x9000004B  }
0xb6: {  	_ =	sfence  }
0xb7: {  	s30 =	sld [smem:$0x0];
	_ =	sdelay $0x2  }
0xb8: {  	s31 =	sshll.u32 s1, $0xD;
	s1 =	sshrl.u32 s1, $0x2  }
0xb9: {  	s3 =	sand.u32 $0x4000, s31;
	s1 =	sadd.s32 s1, s30  }
0xba: {  	s0 =	sor.u32 s3, s0;
	s1 =	sshll.u32 s1, $0x11  }
0xbb: {  	s0 =	sor.u32 s1, s0  }
0xbc: {  	s0 =	sadd.s32 $0x8F2B, s0  }
0xbd: {  	[sflag:s0] =	ssyncadd.remote.s32 $0x1  }
0xbe: {  	_ =	sfence.sel $0xFFFF  }
0xbf: {  	[dreg:$0x0] =	wrdreg $0xFFFFFFFF;
	(pc) =	sbr.abs _section_cstart, $3  }
0xc0: {  	[dreg:$0x1] =	wrdreg $0xFFFFFFFF  }
0xc1: {  	_ =	task.clear_ibuf [dreg:s6], $0x2FFFF;
	_ =	strace $0x9FFFFFFF  }
0xc2: {  	(tm) =	ssettm $0x7FFFFFFF  }
0xc3: {  	_ =	shalt  }
tec
execute0_lowered:
.L_overlay_start_1:
0x0: {  	(tag) =	ssettag $0x1  }
0x1: {  	s0 =	srdreg.scid;
	s1 =	rddreg [dreg:$0x0]  }
0x2: {  	s12 =	stileid.u32;
	s2 =	rddreg [dreg:$0x1]  }
0x3: {  	s18 =	simm.s32 $0x1;
	s20 =	simm.s32 $0x5400;
	s21 =	simm.s32 $0x7B10  }
0x4: {  	s22 =	simm.s32 $0xF330;
	s23 =	simm.s32 $0xCC20;
	s6 =	smul.u32 $0x1400, s12  }
0x5: {  	s24 =	simm.s32 $0x100;
	s25 =	simm.s32 $0xA220;
	s10 =	smul.u32 $0x28000, s12  }
0x6: {  	s26 =	simm.s32 $0x0;
	s0 =	sand.u32 $0x1, s0;
	s31 =	smul.u32 $0x2A00, s12  }
0x7: {  	s28 =	sadd.s32 $0x2C400, s1;
	s3 =	sshll.u32 s0, $0x4;
	s8 =	smul.u32 $0x14000, s0  }
0x8: {  	s9 =	ssub.s32 $0x2, s0;
	s0 =	smul.u32 $0x2A000, s0;
	s4 =	sor.u32 s12, s3  }
0x9: {  	s3 =	simm.s32 $0x0;
	s29 =	sshrl.u32 s9, $0x1;
	s5 =	smul.u32 $0x2A00, s4  }
0xa: {  	s30 =	sshrl.u32 s10, $0x2;
	[smem:$0x7FF] =	sst s3;
	s4 =	smul.u32 $0x4E2, s4  }
0xb: {  	s6 =	sadd.s32 s6, s8;
	s16 =	ssub.s32 s9, s29;
	s8 =	sadd.s32 $0x2C8E2, s1  }
0xc: {  	s9 =	sadd.s32 s30, s2;
	s0 =	sadd.s32 s31, s0;
	_ =	strace $0x8000004A  }
0xd: {  	[dreg:$0x3] =	wrdreg s28;
	s15 =	sadd.s32 s6, s1;
	s10 =	sadd.s32 $0x2000, s9  }
0xe: {  	s11 =	sadd.s32 $0x4000, s9;
	s12 =	sadd.s32 $0x6000, s9;
	s13 =	sadd.s32 $0x8000, s9  }
0xf: {  	s16 =	smax.u32 s16, $0x1;
	s5 =	sshrl.u32 s5, $0x3;
	s4 =	sadd.s32 s4, s1  }
0x10: {  	s15 =	sadd.s32 $0x2CE00, s15;
	s7 =	sadd.s32 s5, s1;
	s5 =	sadd.s32 $0x18400, s1  }
0x11: {  	v0 =	vimm.f32 $0.0e+00;
	s14 =	sadd.s32 $0x54E00, s4;
	s6 =	sadd.s32 $0xDC00, s7;
	s7 =	sadd.s32 $0x3400, s7  }
.LBB2_1:
0x12: {  	[tilespmem:s3], [sflag:$0x1] =	stream.linear.gather [hbm4b:s6+s3], $0x2A00, $0x38;
	[tilespmem:$0x1D340] =	vst v63  }
0x13: {  	_ =	swait.ge [sflag:s18], $0x2A00  }
0x14: {  	[sflag:s18] =	ssyncset.done $0x0  }
0x15: {  	s1 =	simm.s32 $0x2A00;
	[sflag:s18] =	ssyncadd.s32 $0xFFFFD600  }
0x16: {  	[tilespmem:s1], [sflag:$0x1] =	stream.linear.gather [hbm4b:s7+s3], $0x2A00, $0x38;
	[tilespmem:$0x1D340] =	vst v63  }
0x17: {  	_ =	swait.ge [sflag:s18], $0x2A00  }
0x18: {  	[sflag:s18] =	ssyncset.done $0x0  }
0x19: {  	s31 =	rddreg [dreg:$0x3];
	[sflag:s18] =	ssyncadd.s32 $0xFFFFD600  }
0x1a: {  	[tilespmem:s20], [sflag:$0x1] =	stream.linear.gather [hbm4b:s31+s3], $0x2710, $0x38;
	[tilespmem:$0x1D340] =	vst v63  }
0x1b: {  	_ =	swait.ge [sflag:s18], $0x2710  }
0x1c: {  	[sflag:s18] =	ssyncset.done $0x0  }
0x1d: {  	[sflag:s18] =	ssyncadd.s32 $0xFFFFD8F0  }
0x1e: {  	[tilespmem:s21], [sflag:$0x1] =	stream.linear.gather [hbm4b:s8+s3], $0x2710, $0x38;
	[tilespmem:$0x1D340] =	vst v63  }
0x1f: {  	_ =	swait.ge [sflag:s18], $0x2710  }
0x20: {  	[sflag:s18] =	ssyncset.done $0x0  }
0x21: {  	s1 =	simm.s32 $0x0;
	[sflag:s18] =	ssyncadd.s32 $0xFFFFD8F0  }
.LBB2_2:
0x22: {  	p0 =	sne.s32 s1, $0x9C00  }
.Ltmp0:
0x23: {  	_ = 	snop;
	(pc) =	sbr.rel @p0 .LBB2_2-.Ltmp0, $3  }
0x24: {  	_ =	sdelay $0x1  }
0x25: {  	s4 =	sshra.s32 s1, $0x2  }
0x26: {  	s1 =	sadd.s32 $0x40, s1;
	[tilespmem:s4+$0xCC20] =	vst v0  }
0x27: {  	s4 =	simm.s32 $0x100;
	s1 =	simm.s32 $0x0  }
.LBB2_4:
0x28: {  	p0 =	sne.s32 s4, $0xFF00;
	[tilespmem:s1+$0xF360] =	vst v0;
	s17 =	smov.u32 s4;
	s4 =	sadd.s32 $0x100, s4  }
.Ltmp1:
0x29: {  	[tilespmem:s1+$0xF350] =	vst v0;
	(pc) =	sbr.rel @p0 .LBB2_4-.Ltmp1, $3  }
0x2a: {  	[tilespmem:s1+$0xF330] =	vst v0  }
0x2b: {  	[tilespmem:s1+$0xF340] =	vst v0;
	_ =	sdelay $0x1  }
0x2c: {  	s1 =	sshra.s32 s17, $0x2  }
0x2d: {  	[tilespmem:s1+$0xF360] =	vst v0  }
0x2e: {  	[tilespmem:s1+$0xF350] =	vst v0  }
0x2f: {  	[tilespmem:s1+$0xF330] =	vst v0  }
0x30: {  	[tilespmem:s1+$0xF340] =	vst v0  }
0x31: {  	[spmem:s9] =	stream.linear.scatter [tilespmem:s22], [sflag:$0x1], $0x2000, $0x38;
	[tilespmem:$0x1D340] =	vst v63  }
0x32: {  	_ =	swait.ge [sflag:s18], $0x2000  }
0x33: {  	[sflag:s18] =	ssyncset.done $0x0  }
0x34: {  	[sflag:s18] =	ssyncadd.s32 $0xFFFFE000  }
0x35: {  	[spmem:s10] =	stream.linear.scatter [tilespmem:s22], [sflag:$0x1], $0x2000, $0x38;
	[tilespmem:$0x1D340] =	vst v63  }
0x36: {  	_ =	swait.ge [sflag:s18], $0x2000  }
0x37: {  	[sflag:s18] =	ssyncset.done $0x0  }
0x38: {  	[sflag:s18] =	ssyncadd.s32 $0xFFFFE000  }
0x39: {  	[spmem:s11] =	stream.linear.scatter [tilespmem:s22], [sflag:$0x1], $0x2000, $0x38;
	[tilespmem:$0x1D340] =	vst v63  }
0x3a: {  	_ =	swait.ge [sflag:s18], $0x2000  }
0x3b: {  	[sflag:s18] =	ssyncset.done $0x0  }
0x3c: {  	[sflag:s18] =	ssyncadd.s32 $0xFFFFE000  }
0x3d: {  	[spmem:s12] =	stream.linear.scatter [tilespmem:s22], [sflag:$0x1], $0x2000, $0x38;
	[tilespmem:$0x1D340] =	vst v63  }
0x3e: {  	_ =	swait.ge [sflag:s18], $0x2000  }
0x3f: {  	[sflag:s18] =	ssyncset.done $0x0  }
0x40: {  	[sflag:s18] =	ssyncadd.s32 $0xFFFFE000  }
0x41: {  	[spmem:s13] =	stream.linear.scatter [tilespmem:s22], [sflag:$0x1], $0x2000, $0x38;
	[tilespmem:$0x1D340] =	vst v63  }
0x42: {  	_ =	swait.ge [sflag:s18], $0x2000  }
0x43: {  	[sflag:s18] =	ssyncset.done $0x0  }
0x44: {  	v1 =	vimm.f32 $-3.000000010e+38;
	[sflag:s18] =	ssyncadd.s32 $0xFFFFE000  }
0x45: {  	s4 =	simm.s32 $0x0;
	s1 =	simm.s32 $0x40;
	[tilespmem:$0x13330] =	vst v1  }
.LBB2_6:
0x46: {  	p0 =	sne.s32 s1, $0x9C00;
	v2 =	vld [tilespmem:s4+$0x5400];
	_ =	sdelay $0x1  }
.Ltmp2:
0x47: {  	(pc) =	sbr.rel @p0 .LBB2_6-.Ltmp2, $3  }
0x48: {  	_ =	sdelay $0x1  }
0x49: {  	v1 =	vmax.f32 v1, v2  }
0x4a: {  	s4 =	sshra.s32 s1, $0x2;
	s1 =	sadd.s32 $0x40, s1;
	[tilespmem:$0x13330] =	vst v1  }
0x4b: {  	v2 =	vld [tilespmem:s4+$0x5400];
	_ =	sdelay $0x4  }
0x4c: {  	v1 =	vmax.f32 v1, v2  }
0x4d: {  	v2 =	vimm.f32 $-3.000000010e+38;
	[tilespmem:$0x13330] =	vst v1  }
0x4e: {  	s4 =	simm.s32 $0x0;
	s1 =	simm.s32 $0x40;
	[tilespmem:$0x13330] =	vst v2  }
.LBB2_8:
0x4f: {  	p0 =	sne.s32 s1, $0x9C00;
	v3 =	vld [tilespmem:s4+$0x7B10];
	_ =	sdelay $0x1  }
.Ltmp3:
0x50: {  	(pc) =	sbr.rel @p0 .LBB2_8-.Ltmp3, $3  }
0x51: {  	_ =	sdelay $0x1  }
0x52: {  	v2 =	vmax.f32 v2, v3  }
0x53: {  	s4 =	sshra.s32 s1, $0x2;
	s1 =	sadd.s32 $0x40, s1;
	[tilespmem:$0x13330] =	vst v2  }
0x54: {  	v3 =	vld [tilespmem:s4+$0x7B10];
	_ =	sdelay $0x4  }
0x55: {  	(xrf0) =	vmax.scan.msk.f32 $0xffff, v1;
	v2 =	vmax.f32 v2, v3  }
0x56: {  	(xrf0) =	vmax.scan.msk.f32 $0xffff, v2;
	_ =	sdelay $0x4  }
0x57: {  	v1, _, _ =	vpop (xrf0)  }
0x58: {  	(v2sf) =	vpush v1, $0xF;
	v1, _, _ =	vpop (xrf0)  }
0x59: {  	(v2sf) =	vpush v1, $0xF;
	_ =	sdelay $0xd  }
0x5a: {  	s1 =	spop (v2sf)  }
0x5b: {  	s31 =	spop (v2sf)  }
0x5c: {  	s1 =	sadd.f32 s31, s1;
	_ =	sdelay $0x1  }
0x5d: {  	s4 =	smul.f32 $2.000000030e-01, s1;
	_ =	sdelay $0x1  }
0x5e: {  	s28 =	simm.s32 $0x0;
	s29 =	simm.s32 $0xA220;
	s1 =	smax.f32 s1, s4  }
0x5f: {  	s30 =	simm.s32 $0x2A00;
	s17 =	smov.u32 s0;
	[tilespmem:$0x13330] =	vst v2;
	v1 =	vmov s1;
	s1 =	simm.s32 $0x0  }
.LBB2_10:
0x60: {  	v3 =	vmov s28  }
0x61: {  	v4 =	vmov s30;
	_ =	sdelay $0x2  }
0x62: {  	s4 =	simm.s32 $0x0  }
0x63: {  	v2 =	vld.idx.msk [tilespmem:v3+s4+$0x0 ss:$0x1], $0xffff  }
0x64: {  	v5 =	vld.idx.msk [tilespmem:v4+s4+$0x0 ss:$0x1], $0xffff;
	_ =	sdelay $0x6  }
0x65: {  	v2 =	vld.idx.msk [tilespmem:v2+s20+$0x0], $0xffff  }
0x66: {  	v6 =	vld.idx.msk [tilespmem:v5+s21+$0x0], $0xffff;
	_ =	sdelay $0x4  }
0x67: {  	v2 =	vadd.f32 v6, v2;
	_ =	sdelay $0x1  }
0x68: {  	v6 =	vmul.f32 $2.000000030e-01, v2;
	_ =	sdelay $0x1  }
0x69: {  	v2 =	vmax.f32 v2, v6  }
0x6a: {  	v2 =	vsub.f32 v2, v1;
	_ =	sdelay $0x1  }
0x6b: {  	v2 =	vmul.f32 $1.442695020e+00, v2;
	_ =	sdelay $0x1  }
0x6c: {  	(erf) = vpow2.f32 v2;
	_ =	sdelay $0x5  }
0x6d: {  	v2 =	vmov s29;
	_ =	sdelay $0x2  }
0x6e: {  	p0 =	slt.u32 s17, $0x50910;
	v6 =	vpop (erf)  }
0x6f: {  	v6 =	vpsel !p0, $0x0, v6  }
0x70: {  	[tilespmem:v2+s4+$0x0 ss:$0x1] =	vst.idx.msk $0xffff, v6  }
0x71: {  	s19 =	simm.s32 $0x10;
	[tilespmem:v5+s23+$0x0] =	vst.idx.add.f32.msk $0xffff, v6  }
0x72: {  	v6 =	vld.idx.msk [tilespmem:v3+s19+$0x0 ss:$0x1], $0xffff  }
0x73: {  	s31 =	smov.u32 s17;
	s4 =	simm.s32 $0x80;
	v5 =	vld.idx.msk [tilespmem:v4+s19+$0x0 ss:$0x1], $0xffff  }
.LBB2_11:
0x74: {  	p0 =	sne.s32 s4, $0x3C0;
	_ =	sdelay $0x5  }
0x75: {  	v6 =	vld.idx.msk [tilespmem:v6+s20+$0x0], $0xffff  }
0x76: {  	v7 =	vld.idx.msk [tilespmem:v5+s21+$0x0], $0xffff;
	_ =	sdelay $0x5  }
0x77: {  	v6 =	vadd.f32 v7, v6;
	_ =	sdelay $0x1  }
0x78: {  	v7 =	vmul.f32 $2.000000030e-01, v6;
	_ =	sdelay $0x1  }
0x79: {  	v6 =	vmax.f32 v6, v7  }
0x7a: {  	v6 =	vsub.f32 v6, v1;
	_ =	sdelay $0x1  }
0x7b: {  	v6 =	vmul.f32 $1.442695020e+00, v6;
	_ =	sdelay $0x1  }
0x7c: {  	(erf) = vpow2.f32 v6;
	_ =	sdelay $0x7  }
0x7d: {  	s31 =	sadd.s32 $0x10, s31  }
0x7e: {  	p1 =	slt.u32 s31, $0x50910;
	v6 =	vpop (erf)  }
.Ltmp4:
0x7f: {  	v6 =	vpsel !p1, $0x0, v6;
	(pc) =	sbr.rel @p0 .LBB2_11-.Ltmp4, $4  }
0x80: {  	[tilespmem:v2+s19+$0x0 ss:$0x1] =	vst.idx.msk $0xffff, v6  }
0x81: {  	s19 =	sshra.s32 s4, $0x2;
	[tilespmem:v5+s23+$0x0] =	vst.idx.add.f32.msk $0xffff, v6  }
0x82: {  	v6 =	vld.idx.msk [tilespmem:v3+s19+$0x0 ss:$0x1], $0xffff  }
0x83: {  	s4 =	sadd.s32 $0x40, s4;
	v5 =	vld.idx.msk [tilespmem:v4+s19+$0x0 ss:$0x1], $0xffff  }
0x84: {  	_ =	sdelay $0x6  }
0x85: {  	v3 =	vld.idx.msk [tilespmem:v6+s20+$0x0], $0xffff  }
0x86: {  	v4 =	vld.idx.msk [tilespmem:v5+s21+$0x0], $0xffff;
	_ =	sdelay $0x4  }
0x87: {  	v3 =	vadd.f32 v4, v3;
	_ =	sdelay $0x1  }
0x88: {  	v4 =	vmul.f32 $2.000000030e-01, v3;
	_ =	sdelay $0x1  }
0x89: {  	v3 =	vmax.f32 v3, v4  }
0x8a: {  	v3 =	vsub.f32 v3, v1;
	_ =	sdelay $0x1  }
0x8b: {  	v3 =	vmul.f32 $1.442695020e+00, v3;
	_ =	sdelay $0x1  }
0x8c: {  	(erf) = vpow2.f32 v3;
	_ =	sdelay $0x7  }
0x8d: {  	s4 =	sadd.s32 $0x10, s31  }
0x8e: {  	s1 =	sadd.s32 $0x1, s1;
	p0 =	slt.u32 s4, $0x50910;
	v3 =	vpop (erf)  }
0x8f: {  	v3 =	vpsel !p0, $0x0, v3;
	p0 =	sne.s32 s1, $0x2A  }
.Ltmp5:
0x90: {  	_ = 	snop;
	(pc) =	sbr.rel @p0 .LBB2_10-.Ltmp5, $3  }
0x91: {  	_ =	sdelay $0x1  }
0x92: {  	s17 =	sadd.s32 $0x100, s17;
	[tilespmem:v2+s19+$0x0 ss:$0x1] =	vst.idx.msk $0xffff, v3  }
0x93: {  	s29 =	sadd.s32 $0x100, s29;
	s30 =	sadd.s32 $0x100, s30;
	s28 =	sadd.s32 $0x100, s28;
	[tilespmem:v5+s23+$0x0] =	vst.idx.add.f32.msk $0xffff, v3  }
0x94: {  	s1 =	simm.s32 $0x0  }
0x95: {  	[hbm4b:s14+s1] =	stream.linear.scatter [tilespmem:s23], [sflag:$0x1], $0x2710, $0x38;
	[tilespmem:$0x1D340] =	vst v63  }
0x96: {  	_ =	swait.ge [sflag:s18], $0x2710  }
0x97: {  	[sflag:s18] =	ssyncset.done $0x0  }
0x98: {  	[sflag:s18] =	ssyncadd.s32 $0xFFFFD8F0  }
0x99: {  	s28 =	simm.s32 $0x0;
	[bflag:$0x0] =	sbarrier.arrive $0xFFFF  }
.LBB2_14:
0x9a: {  	s29 =	sshll.u32 s28, $0x8;
	v2 =	vmov s1  }
0x9b: {  	v1 =	vmov s29;
	v2 =	vand.u32 $0xFF, v2  }
0x9c: {  	v2 =	vor.u32 v1, v2  }
0x9d: {  	v2 =	vbroadcast v2, $0x0  }
0x9e: {  	[tilespmem:s22], [sflag:$0x1] =	stream.indirect.gather [hbm4b:s5+s24], $0x40, s29, s24, $0xb8;
	[tilespmem:$0x1D340] =	vst v63  }
0x9f: {  	_ =	swait.ge [sflag:s18], $0x4000  }
0xa0: {  	[sflag:s18] =	ssyncset.done $0x0  }
0xa1: {  	s4 =	simm.s32 $0xF350;
	[sflag:s18] =	ssyncadd.s32 $0xFFFFC000  }
0xa2: {  	v5 =	vld [tilespmem:s4+$0x10]  }
0xa3: {  	v3 =	vld.idx.msk [tilespmem:v2+s25+$0x0], $0xffff;
	_ =	sdelay $0x1  }
0xa4: {  	v4 =	vld [tilespmem:s4+$0xFFFFFFF0]  }
0xa5: {  	s17 =	simm.s32 $0x1;
	v7 =	vld [tilespmem:s4+$0x0]  }
0xa6: {  	v2 =	vmov s17  }
0xa7: {  	v2 =	vand.u32 $0xFF, v2;
	v6 =	vmul.f32 v5, v3;
	v5 =	vld [tilespmem:s4+$0xFFFFFFE0]  }
0xa8: {  	v2 =	vor.u32 v1, v2  }
0xa9: {  	v2 =	vbroadcast v2, $0x0  }
0xaa: {  	s19 =	simm.s32 $0x2;
	s17 =	simm.s32 $0xF350;
	v4 =	vmul.f32 v4, v3;
	v7 =	vmul.f32 v7, v3  }
.LBB2_15:
0xab: {  	p0 =	sne.s32 s19, $0xFF  }
0xac: {  	v3 =	vmul.f32 v5, v3;
	[tilespmem:s4+$0x10] =	vst v6;
	s17 =	sadd.s32 $0x40, s17;
	s30 =	smov.u32 s19;
	s19 =	sadd.s32 $0x1, s19  }
0xad: {  	[tilespmem:s4+$0x0] =	vst v7  }
0xae: {  	[tilespmem:s4+$0xFFFFFFE0] =	vst v3  }
0xaf: {  	v7 =	vld [tilespmem:s17+$0xFFFFFFF0];
	[tilespmem:s4+$0xFFFFFFF0] =	vst v4;
	s4 =	smov.u32 s17  }
0xb0: {  	v3 =	vld.idx.msk [tilespmem:v2+s25+$0x0], $0xffff  }
0xb1: {  	v4 =	vld [tilespmem:s17+$0x10]  }
0xb2: {  	v8 =	vld [tilespmem:s17+$0x0]  }
.Ltmp6:
0xb3: {  	v2 =	vmov s30;
	v5 =	vld [tilespmem:s17+$0xFFFFFFE0];
	(pc) =	sbr.rel @p0 .LBB2_15-.Ltmp6, $4  }
0xb4: {  	v2 =	vand.u32 $0xFF, v2  }
0xb5: {  	v2 =	vor.u32 v1, v2  }
0xb6: {  	v2 =	vbroadcast v2, $0x0;
	v6 =	vmul.f32 v4, v3  }
0xb7: {  	v4 =	vmul.f32 v7, v3;
	v7 =	vmul.f32 v8, v3  }
0xb8: {  	v1 =	vmul.f32 v5, v3;
	[tilespmem:s4+$0x10] =	vst v6  }
0xb9: {  	[tilespmem:s4+$0x0] =	vst v7  }
0xba: {  	s17 =	sadd.s32 $0x40, s17;
	[tilespmem:s4+$0xFFFFFFE0] =	vst v1  }
0xbb: {  	v1 =	vld [tilespmem:s17+$0xFFFFFFF0];
	[tilespmem:s4+$0xFFFFFFF0] =	vst v4  }
0xbc: {  	v2 =	vld.idx.msk [tilespmem:v2+s25+$0x0], $0xffff  }
0xbd: {  	v3 =	vld [tilespmem:s17+$0x10]  }
0xbe: {  	v4 =	vld [tilespmem:s17+$0x0]  }
0xbf: {  	v63 =	vld [tilespmem:s17+$0xFFFFFFE0];
	_ =	sdelay $0x2  }
0xc0: {  	v3 =	vmul.f32 v3, v2  }
0xc1: {  	v4 =	vmul.f32 v4, v2  }
0xc2: {  	v5 =	vmul.f32 v63, v2;
	[tilespmem:s17+$0x10] =	vst v3  }
0xc3: {  	s28 =	sadd.s32 $0x1, s28;
	v1 =	vmul.f32 v1, v2;
	[tilespmem:s17+$0x0] =	vst v4  }
0xc4: {  	p0 =	sne.s32 s28, $0x2A;
	[tilespmem:s17+$0xFFFFFFE0] =	vst v5  }
.Ltmp7:
0xc5: {  	s31 =	sadd.s32 $0x2A00, s29;
	[tilespmem:s17+$0xFFFFFFF0] =	vst v1;
	(pc) =	sbr.rel @p0 .LBB2_14-.Ltmp7, $4  }
0xc6: {  	[spmem:s2] =	stream.indirect.scatter.add.f32 [tilespmem:s22], [sflag:$0x1], $0x40, s31, s24, $0xb8;
	[tilespmem:$0x1D340] =	vst v63  }
0xc7: {  	_ =	swait.ge [sflag:s18], $0x4000  }
0xc8: {  	[sflag:s18] =	ssyncset.done $0x0  }
0xc9: {  	[sflag:s18] =	ssyncadd.s32 $0xFFFFC000  }
0xca: {  	s1 =	stileid.u32;
	s26 =	sadd.s32 $0x1, s26  }
0xcb: {  	[bflag:$0x0] =	sbarrier.arrive $0xFFFF;
	s1 =	sshll.u32 s1, $0x6;
	p0 =	sne.s32 s26, s16  }
.Ltmp8:
0xcc: {  	s4 =	sshrl.u32 s9, $0x3;
	s1 =	sor.u32 $0x1C01, s1;
	(pc) =	sbr.rel @p0 .LBB2_1-.Ltmp8, $4  }
0xcd: {  	[hbm:s15], [sflag:s1] =	dma.local [spmem:s4], $0x1400  }
0xce: {  	_ =	swait.ge [sflag:s18], $0x1400  }
0xcf: {  	[sflag:s18] =	ssyncset.done $0x0  }
0xd0: {  	[sflag:s18] =	ssyncadd.s32 $0xFFFFEC00  }
0xd1: {  	_ =	sfence.sel $0x180000  }
0xd2: {  	[bflag:$0x0] =	sbarrier.arrive $0xFFFF  }
0xd3: {  	_ =	strace $0x9000004A  }
0xd4: {  	s0 =	stileid.u32;
	[bflag:$0x2] =	sbarrier.arrive $0xFFFF  }
0xd5: {  	p0 =	sne.s32 s0, $0x0;
	s0 =	rddreg [dreg:$0x2]  }
0xd6: {  	s0 =	sadd.s32 @!p0 $0x100000, s0  }
0xd7: {  	[sflag:s0] =	ssyncadd.tile.s32 @!p0 $0x1;
	_ =	shalt  }
.Lfunc_end2:
_tile_overlayer_lowered:
.L_overlay_start_2:
0xd8: {  	(tag) =	ssettag $0x2  }
0xd9: {  	s0 =	rddreg [dreg:$0x0];
	s2 =	stileid.u32  }
0xda: {  	s1 =	rddreg [dreg:$0x1];
	p0 =	sne.s32 s2, $0x0  }
0xdb: {  	s3 =	rddreg [dreg:$0x2];
	[bflag:$0x3] =	sbarrier.arrive $0xFFFF;
	s2 =	simm.s32 @!p0 $0x1C01  }
0xdc: {  	[timem:s3], [sflag:s2] =	dma.local @!p0 [hbm:s0], s1  }
0xdd: {  	s0 =	simm.s32 @!p0 $0x1  }
0xde: {  	_ =	swait.ge @!p0 [sflag:s0], s1  }
0xdf: {  	s1 =	ssub.s32 @!p0 $0x0, s1;
	[sflag:s0] =	ssyncset.done @!p0 $0x0  }
0xe0: {  	[sflag:s0] =	ssyncadd.s32 @!p0 s1  }
0xe1: {  	[bflag:$0x3] =	sbarrier.arrive $0xFFFF  }
0xe2: {  	_ =	shalt  }

// kernel: kernel.7.cloned.1.call-start
scs
__scs_entry_jumppad:
0x0: {  	(pc) =	sbr.rel $0x88, $3  }
0x1: {  	(tag) =	ssettag $0x0;
	lr =	simm.s32 $0x1  }
0x2: {  	[smem:$0x3F92] =	sst lr;
	_ =	strace $0xD0000000  }
0x3: {  	_ = 	snop  }
0x4: {  	_ = 	snop  }
0x5: {  	_ = 	snop  }
0x6: {  	_ = 	snop  }
0x7: {  	_ = 	snop  }
__scs_overlays_trampoline_lowered:
0x8: {  	[smem:$0x3FA1] =	sst s0  }
0x9: {  	[smem:$0x3FA2] =	sst s1  }
0xa: {  	[smem:$0x3FA3] =	sst s2  }
0xb: {  	[smem:$0x3FA4] =	sst s3  }
0xc: {  	[smem:$0x3FA5] =	sst s4  }
0xd: {  	[smem:$0x3FA6] =	sst s5  }
0xe: {  	[smem:$0x3FA7] =	sst s6  }
0xf: {  	[smem:$0x3FA8] =	sst s7  }
0x10: {  	[smem:$0x3FA9] =	sst s8  }
0x11: {  	[smem:$0x3FAA] =	sst s9;
	s0 =	simm.s32 @!p0 $0x0  }
0x12: {  	s1 =	sld [smem:$0x3F90];
	s0 =	simm.s32 @p0 $0x1  }
0x13: {  	[smem:$0x3FAB] =	sst s0;
	s0 =	simm.s32 @!p1 $0x0  }
0x14: {  	s2 =	sld [smem:$0x3F8F];
	s0 =	simm.s32 @p1 $0x1  }
0x15: {  	[smem:$0x3FAC] =	sst s0;
	s0 =	simm.s32 @!p2 $0x0  }
0x16: {  	s3 =	sld [smem:$0x3FDB];
	s0 =	simm.s32 @p2 $0x1  }
0x17: {  	s4 =	simm.s32 $0x1BF5;
	[smem:$0x3FAE] =	sst s0  }
0x18: {  	s0 =	sld [smem:$0x3F91];
	_ =	swait.ge [sflag:s4], $0x0  }
0x19: {  	s7 =	sld [smem:$0x3F92]  }
0x1a: {  	s8 =	sadd.s32 $0xFFFFE003, lr  }
0x1b: {  	s9 =	sadd.s32 $0xFFFFFEF7, lr;
	s5 =	simm.s32 $0xFFFFFFFF;
	p2 =	slt.u32 s8, $0xFFFFF086  }
0x1c: {  	p1 =	slt.u32 s9, $0xF7A;
	s5 =	simm.s32 @!p2 $0x0  }
0x1d: {  	s5 =	simm.s32 @p1 $0x1;
	p0 =	seq.s32 s7, s2  }
0x1e: {  	s7 =	smul.u32 @!p0 $0xF7A, s2;
	p2 =	seq.s32 @!p0 s5, $0x0  }
0x1f: {  	s9 =	smul.u32 $0xF7A, s1;
	s8 =	simm.s32 @!p0 $0x1BF5;
	p2 =	por !p2, p0  }
0x20: {  	[sflag:s8] =	ssyncset.s32 @!p0 $0xFFFFF086;
	s6 =	sadd.s32 @!p0 s3, s7;
	s7 =	simm.s32 @!p0 $0x108  }
0x21: {  	s3 =	sadd.s32 s3, s9;
	s6 =	sadd.s32 @!p0 $0x88, s6;
	s7 =	simm.s32 @p2 $0x1082  }
0x22: {  	[simem:s7], [sflag:s8] =	dma.local @!p0 [hbm:s6], $0xF7A  }
0x23: {  	s9 =	sor.u32 $0xD0000000, s2;
	s6 =	simm.s32 $0x108;
	_ =	swait.ge @!p0 [sflag:s8], $0x0  }
0x24: {  	s3 =	sadd.s32 $0x88, s3;
	s6 =	simm.s32 @!p1 $0x1082;
	[sflag:s4] =	ssyncset.s32 $0xFFFFF086  }
0x25: {  	[simem:s6], [sflag:s4] =	dma.local [hbm:s3], $0xF7A  }
0x26: {  	[smem:$0x3F92] =	sst s1;
	(tag) =	ssettag s2;
	_ =	strace s9  }
0x27: {  	s1 =	sld [smem:$0x3FA2]  }
0x28: {  	s2 =	sld [smem:$0x3FA3]  }
0x29: {  	s4 =	sld [smem:$0x3FA5]  }
0x2a: {  	p0 =	seq.s32 s5, $0x0;
	s5 =	sld [smem:$0x3FA6]  }
0x2b: {  	s6 =	sld [smem:$0x3FA7]  }
0x2c: {  	s7 =	sld [smem:$0x3FA8]  }
0x2d: {  	s3 =	simm.s32 $0x108;
	s8 =	sld [smem:$0x3FA9]  }
0x2e: {  	s3 =	simm.s32 @!p0 $0x1082;
	s9 =	sld [smem:$0x3FAA]  }
0x2f: {  	lr =	sadd.s32 s0, s3;
	s0 =	sld [smem:$0x3FA1]  }
0x30: {  	s3 =	sld [smem:$0x3FA4]  }
0x31: {  	[smem:$0x3FAD] =	sst s10  }
0x32: {  	s10 =	sld [smem:$0x3FAB];
	_ =	sdelay $0x3  }
0x33: {  	p0 =	seq.s32 s10, $0x1;
	s10 =	sld [smem:$0x3FAD];
	_ =	sdelay $0x3  }
0x34: {  	[smem:$0x3FAD] =	sst s10  }
0x35: {  	s10 =	sld [smem:$0x3FAC];
	_ =	sdelay $0x3  }
0x36: {  	p1 =	seq.s32 s10, $0x1;
	s10 =	sld [smem:$0x3FAD];
	_ =	sdelay $0x3  }
0x37: {  	[smem:$0x3FAD] =	sst s10  }
0x38: {  	s10 =	sld [smem:$0x3FAE]  }
0x39: {  	_ = 	snop;
	(pc) =	sbr.ind lr, $3  }
0x3a: {  	_ = 	snop  }
0x3b: {  	_ = 	snop  }
0x3c: {  	p2 =	seq.s32 s10, $0x1;
	s10 =	sld [smem:$0x3FAD]  }
0x3d: {  	_ =	shalt  }
0x3e: {  	_ =	shalt  }
0x3f: {  	_ =	shalt  }
0x40: {  	_ =	shalt  }
0x41: {  	_ =	shalt  }
0x42: {  	_ =	shalt  }
0x43: {  	_ =	shalt  }
0x44: {  	_ =	shalt  }
0x45: {  	_ =	shalt  }
0x46: {  	_ =	shalt  }
0x47: {  	_ =	shalt  }
0x48: {  	_ =	shalt  }
0x49: {  	_ =	shalt  }
0x4a: {  	_ =	shalt  }
0x4b: {  	_ =	shalt  }
0x4c: {  	_ =	shalt  }
0x4d: {  	_ =	shalt  }
0x4e: {  	_ =	shalt  }
0x4f: {  	_ =	shalt  }
0x50: {  	_ =	shalt  }
0x51: {  	_ =	shalt  }
0x52: {  	_ =	shalt  }
0x53: {  	_ =	shalt  }
0x54: {  	_ =	shalt  }
0x55: {  	_ =	shalt  }
0x56: {  	_ =	shalt  }
0x57: {  	_ =	shalt  }
0x58: {  	_ =	shalt  }
0x59: {  	_ =	shalt  }
0x5a: {  	_ =	shalt  }
0x5b: {  	_ =	shalt  }
0x5c: {  	_ =	shalt  }
0x5d: {  	_ =	shalt  }
0x5e: {  	_ =	shalt  }
0x5f: {  	_ =	shalt  }
0x60: {  	_ =	shalt  }
0x61: {  	_ =	shalt  }
0x62: {  	_ =	shalt  }
0x63: {  	_ =	shalt  }
0x64: {  	_ =	shalt  }
0x65: {  	_ =	shalt  }
0x66: {  	_ =	shalt  }
0x67: {  	_ =	shalt  }
0x68: {  	_ =	shalt  }
0x69: {  	_ =	shalt  }
0x6a: {  	_ =	shalt  }
0x6b: {  	_ =	shalt  }
0x6c: {  	_ =	shalt  }
0x6d: {  	_ =	shalt  }
0x6e: {  	_ =	shalt  }
0x6f: {  	_ =	shalt  }
0x70: {  	_ =	shalt  }
0x71: {  	_ =	shalt  }
0x72: {  	_ =	shalt  }
0x73: {  	_ =	shalt  }
0x74: {  	_ =	shalt  }
0x75: {  	_ =	shalt  }
0x76: {  	_ =	shalt  }
0x77: {  	_ =	shalt  }
0x78: {  	_ =	shalt  }
0x79: {  	_ =	shalt  }
0x7a: {  	_ =	shalt  }
0x7b: {  	_ =	shalt  }
0x7c: {  	_ =	shalt  }
0x7d: {  	_ =	shalt  }
0x7e: {  	_ =	shalt  }
0x7f: {  	_ =	shalt  }
0x80: {  	_ =	shalt  }
0x81: {  	_ =	shalt  }
0x82: {  	_ =	shalt  }
0x83: {  	_ =	shalt  }
0x84: {  	_ =	shalt  }
0x85: {  	_ =	shalt  }
0x86: {  	_ =	shalt  }
0x87: {  	_ =	shalt  }
.Lfunc_end0:
.L_simem_size_0:
called_computation_lowered:
.L_overlay_start_0:
0x88: {  	s2 =	sld [smem:$0x3FD9]  }
0x89: {  	s3 =	sld [smem:$0x3FFE];
	_ =	sdelay $0x1  }
0x8a: {  	s1 =	srdreg.scid  }
0x8b: {  	s0 =	sand.u32 $0x1, s1  }
0x8c: {  	s16 =	sshll.u32 s0, $0xA;
	s2 =	sadd.s32 s3, s2  }
0x8d: {  	s2 =	sadd.s32 s2, s16  }
0x8e: {  	[smem:$0x3FB9] =	sst s2  }
0x8f: {  	_ = 	snop  }
0x90: {  	(tm) =	ssettm $0x1  }
0x91: {  	s17 =	sld [smem:$0x3FFB];
	_ =	sdelay $0x3  }
0x92: {  	_ =	strace s17  }
0x93: {  	s2 =	sld [smem:$0x3FFC];
	_ =	sdelay $0x3  }
0x94: {  	_ =	strace s2  }
0x95: {  	s2 =	sld [smem:$0x3FFD];
	_ =	sdelay $0x3  }
0x96: {  	_ =	strace s2  }
0x97: {  	_ =	strace $0x8FFFFFFF  }
0x98: {  	s18 =	sld [smem:$0x3FDB];
	_ =	sdelay $0x1  }
0x99: {  	s19 =	simm.s32 $_scs_section_size  }
0x9a: {  	s4 =	simm.s32 $_size__tile_overlayer_lowered;
	s5 =	simm.s32 $_tile_overlayer_lowered  }
0x9b: {  	s22 =	simm.s32 $0x1BFF;
	s21 =	sshll.u32 s5, $0x1;
	s2 =	sadd.s32 s19, s18  }
0x9c: {  	s6 =	simm.s32 $0x0;
	s20 =	sshll.u32 s4, $0x1;
	s4 =	sadd.s32 s21, s2  }
0x9d: {  	[timem:s6], [sflag:s22] =	dma.local [hbm:s4], s20  }
0x9e: {  	_ =	swait.ge [sflag:s22], s20  }
0x9f: {  	s3 =	ssub.s32 $0x0, s20;
	[sflag:s22] =	ssyncset.done $0x0  }
0xa0: {  	[sflag:s22] =	ssyncadd.s32 s3;
	_ =	sdelay $0x1  }
0xa1: {  	s23 =	simm.s32 $0x1B8B  }
0xa2: {  	_ =	swait.ge [sflag:s23], $0x1  }
0xa3: {  	[sflag:s23] =	ssyncset.done $0x0  }
0xa4: {  	s25 =	simm.s32 $0x1B8E;
	s24 =	sld [smem:$0x3FFE];
	[sflag:s23] =	ssyncadd.s32 $0xFFFFFFFF  }
0xa5: {  	s26 =	simm.s32 $execute0_lowered;
	[smem:$0x3FD2] =	sst s25  }
0xa6: {  	s4 =	sshll.u32 s26, $0x1;
	_ =	strace $0x80000046;
	[dreg:$0x1] =	wrdreg $0xFFFFFFFF  }
0xa7: {  	s28 =	simm.s32 $_size_execute0_lowered;
	s2 =	sadd.s32 s2, s4;
	[dreg:$0x0] =	wrdreg $0x0  }
0xa8: {  	s4 =	sshll.u32 s28, $0x1;
	[dreg:$0x2] =	wrdreg s2  }
0xa9: {  	[dreg:$0x3] =	wrdreg s4  }
0xaa: {  	[dreg:$0x4] =	wrdreg $0xC0  }
0xab: {  	_ =	task [dreg:s6], $0x5FFFF  }
0xac: {  	[dreg:$0x1] =	wrdreg $0xFFFFFFFF  }
0xad: {  	[dreg:$0x0] =	wrdreg $0x60  }
0xae: {  	[dreg:$0x2] =	wrdreg s24  }
0xaf: {  	[dreg:$0x3] =	wrdreg $0x133400  }
0xb0: {  	[dreg:$0x4] =	wrdreg $0x9  }
0xb1: {  	_ =	task.clear_ibuf [dreg:s6], $0x5FFFF;
	_ =	strace $0x90000046  }
0xb2: {  	s29 =	simm.s32 $0x9;
	_ =	strace $0x80000048  }
0xb3: {  	_ =	swait.ge [sflag:s29], $0x1  }
0xb4: {  	[sflag:s29] =	ssyncadd.s32 $0xFFFFFFFF  }
0xb5: {  	_ =	strace $0x90000048  }
0xb6: {  	_ =	sfence  }
0xb7: {  	s30 =	sld [smem:$0x0];
	_ =	sdelay $0x2  }
0xb8: {  	s31 =	sshll.u32 s1, $0xD;
	s1 =	sshrl.u32 s1, $0x2  }
0xb9: {  	s3 =	sand.u32 $0x4000, s31;
	s1 =	sadd.s32 s1, s30  }
0xba: {  	s0 =	sor.u32 s3, s0;
	s1 =	sshll.u32 s1, $0x11  }
0xbb: {  	s0 =	sor.u32 s1, s0  }
0xbc: {  	s0 =	sadd.s32 $0x8F2B, s0  }
0xbd: {  	[sflag:s0] =	ssyncadd.remote.s32 $0x1  }
0xbe: {  	_ =	sfence.sel $0xFFFF  }
0xbf: {  	[dreg:$0x0] =	wrdreg $0xFFFFFFFF;
	(pc) =	sbr.abs _section_cstart, $3  }
0xc0: {  	[dreg:$0x1] =	wrdreg $0xFFFFFFFF  }
0xc1: {  	_ =	task.clear_ibuf [dreg:s6], $0x2FFFF;
	_ =	strace $0x9FFFFFFF  }
0xc2: {  	(tm) =	ssettm $0x7FFFFFFF  }
0xc3: {  	_ =	shalt  }
tec
execute0_lowered:
.L_overlay_start_1:
0x0: {  	(tag) =	ssettag $0x1  }
0x1: {  	s0 =	srdreg.scid;
	s1 =	rddreg [dreg:$0x0]  }
0x2: {  	s12 =	stileid.u32;
	s2 =	rddreg [dreg:$0x1]  }
0x3: {  	s18 =	simm.s32 $0x1;
	s20 =	simm.s32 $0x5400;
	s21 =	simm.s32 $0x7B10  }
0x4: {  	s22 =	simm.s32 $0xF330;
	s23 =	simm.s32 $0xCC20;
	s6 =	smul.u32 $0x1400, s12  }
0x5: {  	s24 =	simm.s32 $0x100;
	s25 =	simm.s32 $0xA220;
	s10 =	smul.u32 $0x28000, s12  }
0x6: {  	s26 =	simm.s32 $0x0;
	s0 =	sand.u32 $0x1, s0;
	s31 =	smul.u32 $0x2A00, s12  }
0x7: {  	s28 =	sadd.s32 $0x2C400, s1;
	s3 =	sshll.u32 s0, $0x4;
	s8 =	smul.u32 $0x14000, s0  }
0x8: {  	s9 =	ssub.s32 $0x2, s0;
	s0 =	smul.u32 $0x2A000, s0;
	s4 =	sor.u32 s12, s3  }
0x9: {  	s3 =	simm.s32 $0x0;
	s29 =	sshrl.u32 s9, $0x1;
	s5 =	smul.u32 $0x2A00, s4  }
0xa: {  	s30 =	sshrl.u32 s10, $0x2;
	[smem:$0x7FF] =	sst s3;
	s4 =	smul.u32 $0x4E2, s4  }
0xb: {  	s6 =	sadd.s32 s6, s8;
	s16 =	ssub.s32 s9, s29;
	s8 =	sadd.s32 $0x2C8E2, s1  }
0xc: {  	s9 =	sadd.s32 s30, s2;
	s0 =	sadd.s32 s31, s0;
	_ =	strace $0x80000047  }
0xd: {  	[dreg:$0x3] =	wrdreg s28;
	s15 =	sadd.s32 s6, s1;
	s10 =	sadd.s32 $0x2000, s9  }
0xe: {  	s11 =	sadd.s32 $0x4000, s9;
	s12 =	sadd.s32 $0x6000, s9;
	s13 =	sadd.s32 $0x8000, s9  }
0xf: {  	s16 =	smax.u32 s16, $0x1;
	s5 =	sshrl.u32 s5, $0x3;
	s4 =	sadd.s32 s4, s1  }
0x10: {  	s15 =	sadd.s32 $0x2CE00, s15;
	s7 =	sadd.s32 s5, s1;
	s5 =	sadd.s32 $0x18400, s1  }
0x11: {  	v0 =	vimm.f32 $0.0e+00;
	s14 =	sadd.s32 $0x54E00, s4;
	s6 =	sadd.s32 $0xDC00, s7;
	s7 =	sadd.s32 $0x3400, s7  }
.LBB2_1:
0x12: {  	[tilespmem:s3], [sflag:$0x1] =	stream.linear.gather [hbm4b:s6+s3], $0x2A00, $0x38;
	[tilespmem:$0x1D340] =	vst v63  }
0x13: {  	_ =	swait.ge [sflag:s18], $0x2A00  }
0x14: {  	[sflag:s18] =	ssyncset.done $0x0  }
0x15: {  	s1 =	simm.s32 $0x2A00;
	[sflag:s18] =	ssyncadd.s32 $0xFFFFD600  }
0x16: {  	[tilespmem:s1], [sflag:$0x1] =	stream.linear.gather [hbm4b:s7+s3], $0x2A00, $0x38;
	[tilespmem:$0x1D340] =	vst v63  }
0x17: {  	_ =	swait.ge [sflag:s18], $0x2A00  }
0x18: {  	[sflag:s18] =	ssyncset.done $0x0  }
0x19: {  	s31 =	rddreg [dreg:$0x3];
	[sflag:s18] =	ssyncadd.s32 $0xFFFFD600  }
0x1a: {  	[tilespmem:s20], [sflag:$0x1] =	stream.linear.gather [hbm4b:s31+s3], $0x2710, $0x38;
	[tilespmem:$0x1D340] =	vst v63  }
0x1b: {  	_ =	swait.ge [sflag:s18], $0x2710  }
0x1c: {  	[sflag:s18] =	ssyncset.done $0x0  }
0x1d: {  	[sflag:s18] =	ssyncadd.s32 $0xFFFFD8F0  }
0x1e: {  	[tilespmem:s21], [sflag:$0x1] =	stream.linear.gather [hbm4b:s8+s3], $0x2710, $0x38;
	[tilespmem:$0x1D340] =	vst v63  }
0x1f: {  	_ =	swait.ge [sflag:s18], $0x2710  }
0x20: {  	[sflag:s18] =	ssyncset.done $0x0  }
0x21: {  	s1 =	simm.s32 $0x0;
	[sflag:s18] =	ssyncadd.s32 $0xFFFFD8F0  }
.LBB2_2:
0x22: {  	p0 =	sne.s32 s1, $0x9C00  }
.Ltmp0:
0x23: {  	_ = 	snop;
	(pc) =	sbr.rel @p0 .LBB2_2-.Ltmp0, $3  }
0x24: {  	_ =	sdelay $0x1  }
0x25: {  	s4 =	sshra.s32 s1, $0x2  }
0x26: {  	s1 =	sadd.s32 $0x40, s1;
	[tilespmem:s4+$0xCC20] =	vst v0  }
0x27: {  	s4 =	simm.s32 $0x100;
	s1 =	simm.s32 $0x0  }
.LBB2_4:
0x28: {  	p0 =	sne.s32 s4, $0xFF00;
	[tilespmem:s1+$0xF360] =	vst v0;
	s17 =	smov.u32 s4;
	s4 =	sadd.s32 $0x100, s4  }
.Ltmp1:
0x29: {  	[tilespmem:s1+$0xF350] =	vst v0;
	(pc) =	sbr.rel @p0 .LBB2_4-.Ltmp1, $3  }
0x2a: {  	[tilespmem:s1+$0xF330] =	vst v0  }
0x2b: {  	[tilespmem:s1+$0xF340] =	vst v0;
	_ =	sdelay $0x1  }
0x2c: {  	s1 =	sshra.s32 s17, $0x2  }
0x2d: {  	[tilespmem:s1+$0xF360] =	vst v0  }
0x2e: {  	[tilespmem:s1+$0xF350] =	vst v0  }
0x2f: {  	[tilespmem:s1+$0xF330] =	vst v0  }
0x30: {  	[tilespmem:s1+$0xF340] =	vst v0  }
0x31: {  	[spmem:s9] =	stream.linear.scatter [tilespmem:s22], [sflag:$0x1], $0x2000, $0x38;
	[tilespmem:$0x1D340] =	vst v63  }
0x32: {  	_ =	swait.ge [sflag:s18], $0x2000  }
0x33: {  	[sflag:s18] =	ssyncset.done $0x0  }
0x34: {  	[sflag:s18] =	ssyncadd.s32 $0xFFFFE000  }
0x35: {  	[spmem:s10] =	stream.linear.scatter [tilespmem:s22], [sflag:$0x1], $0x2000, $0x38;
	[tilespmem:$0x1D340] =	vst v63  }
0x36: {  	_ =	swait.ge [sflag:s18], $0x2000  }
0x37: {  	[sflag:s18] =	ssyncset.done $0x0  }
0x38: {  	[sflag:s18] =	ssyncadd.s32 $0xFFFFE000  }
0x39: {  	[spmem:s11] =	stream.linear.scatter [tilespmem:s22], [sflag:$0x1], $0x2000, $0x38;
	[tilespmem:$0x1D340] =	vst v63  }
0x3a: {  	_ =	swait.ge [sflag:s18], $0x2000  }
0x3b: {  	[sflag:s18] =	ssyncset.done $0x0  }
0x3c: {  	[sflag:s18] =	ssyncadd.s32 $0xFFFFE000  }
0x3d: {  	[spmem:s12] =	stream.linear.scatter [tilespmem:s22], [sflag:$0x1], $0x2000, $0x38;
	[tilespmem:$0x1D340] =	vst v63  }
0x3e: {  	_ =	swait.ge [sflag:s18], $0x2000  }
0x3f: {  	[sflag:s18] =	ssyncset.done $0x0  }
0x40: {  	[sflag:s18] =	ssyncadd.s32 $0xFFFFE000  }
0x41: {  	[spmem:s13] =	stream.linear.scatter [tilespmem:s22], [sflag:$0x1], $0x2000, $0x38;
	[tilespmem:$0x1D340] =	vst v63  }
0x42: {  	_ =	swait.ge [sflag:s18], $0x2000  }
0x43: {  	[sflag:s18] =	ssyncset.done $0x0  }
0x44: {  	v1 =	vimm.f32 $-3.000000010e+38;
	[sflag:s18] =	ssyncadd.s32 $0xFFFFE000  }
0x45: {  	s4 =	simm.s32 $0x0;
	s1 =	simm.s32 $0x40;
	[tilespmem:$0x13330] =	vst v1  }
.LBB2_6:
0x46: {  	p0 =	sne.s32 s1, $0x9C00;
	v2 =	vld [tilespmem:s4+$0x5400];
	_ =	sdelay $0x1  }
.Ltmp2:
0x47: {  	(pc) =	sbr.rel @p0 .LBB2_6-.Ltmp2, $3  }
0x48: {  	_ =	sdelay $0x1  }
0x49: {  	v1 =	vmax.f32 v1, v2  }
0x4a: {  	s4 =	sshra.s32 s1, $0x2;
	s1 =	sadd.s32 $0x40, s1;
	[tilespmem:$0x13330] =	vst v1  }
0x4b: {  	v2 =	vld [tilespmem:s4+$0x5400];
	_ =	sdelay $0x4  }
0x4c: {  	v1 =	vmax.f32 v1, v2  }
0x4d: {  	v2 =	vimm.f32 $-3.000000010e+38;
	[tilespmem:$0x13330] =	vst v1  }
0x4e: {  	s4 =	simm.s32 $0x0;
	s1 =	simm.s32 $0x40;
	[tilespmem:$0x13330] =	vst v2  }
.LBB2_8:
0x4f: {  	p0 =	sne.s32 s1, $0x9C00;
	v3 =	vld [tilespmem:s4+$0x7B10];
	_ =	sdelay $0x1  }
.Ltmp3:
0x50: {  	(pc) =	sbr.rel @p0 .LBB2_8-.Ltmp3, $3  }
0x51: {  	_ =	sdelay $0x1  }
0x52: {  	v2 =	vmax.f32 v2, v3  }
0x53: {  	s4 =	sshra.s32 s1, $0x2;
	s1 =	sadd.s32 $0x40, s1;
	[tilespmem:$0x13330] =	vst v2  }
0x54: {  	v3 =	vld [tilespmem:s4+$0x7B10];
	_ =	sdelay $0x4  }
0x55: {  	(xrf0) =	vmax.scan.msk.f32 $0xffff, v1;
	v2 =	vmax.f32 v2, v3  }
0x56: {  	(xrf0) =	vmax.scan.msk.f32 $0xffff, v2;
	_ =	sdelay $0x4  }
0x57: {  	v1, _, _ =	vpop (xrf0)  }
0x58: {  	(v2sf) =	vpush v1, $0xF;
	v1, _, _ =	vpop (xrf0)  }
0x59: {  	(v2sf) =	vpush v1, $0xF;
	_ =	sdelay $0xd  }
0x5a: {  	s1 =	spop (v2sf)  }
0x5b: {  	s31 =	spop (v2sf)  }
0x5c: {  	s1 =	sadd.f32 s31, s1;
	_ =	sdelay $0x1  }
0x5d: {  	s4 =	smul.f32 $2.000000030e-01, s1;
	_ =	sdelay $0x1  }
0x5e: {  	s28 =	simm.s32 $0x0;
	s29 =	simm.s32 $0xA220;
	s1 =	smax.f32 s1, s4  }
0x5f: {  	s30 =	simm.s32 $0x2A00;
	s17 =	smov.u32 s0;
	[tilespmem:$0x13330] =	vst v2;
	v1 =	vmov s1;
	s1 =	simm.s32 $0x0  }
.LBB2_10:
0x60: {  	v3 =	vmov s28  }
0x61: {  	v4 =	vmov s30;
	_ =	sdelay $0x2  }
0x62: {  	s4 =	simm.s32 $0x0  }
0x63: {  	v2 =	vld.idx.msk [tilespmem:v3+s4+$0x0 ss:$0x1], $0xffff  }
0x64: {  	v5 =	vld.idx.msk [tilespmem:v4+s4+$0x0 ss:$0x1], $0xffff;
	_ =	sdelay $0x6  }
0x65: {  	v2 =	vld.idx.msk [tilespmem:v2+s20+$0x0], $0xffff  }
0x66: {  	v6 =	vld.idx.msk [tilespmem:v5+s21+$0x0], $0xffff;
	_ =	sdelay $0x4  }
0x67: {  	v2 =	vadd.f32 v6, v2;
	_ =	sdelay $0x1  }
0x68: {  	v6 =	vmul.f32 $2.000000030e-01, v2;
	_ =	sdelay $0x1  }
0x69: {  	v2 =	vmax.f32 v2, v6  }
0x6a: {  	v2 =	vsub.f32 v2, v1;
	_ =	sdelay $0x1  }
0x6b: {  	v2 =	vmul.f32 $1.442695020e+00, v2;
	_ =	sdelay $0x1  }
0x6c: {  	(erf) = vpow2.f32 v2;
	_ =	sdelay $0x5  }
0x6d: {  	v2 =	vmov s29;
	_ =	sdelay $0x2  }
0x6e: {  	p0 =	slt.u32 s17, $0x50910;
	v6 =	vpop (erf)  }
0x6f: {  	v6 =	vpsel !p0, $0x0, v6  }
0x70: {  	[tilespmem:v2+s4+$0x0 ss:$0x1] =	vst.idx.msk $0xffff, v6  }
0x71: {  	s19 =	simm.s32 $0x10;
	[tilespmem:v5+s23+$0x0] =	vst.idx.add.f32.msk $0xffff, v6  }
0x72: {  	v6 =	vld.idx.msk [tilespmem:v3+s19+$0x0 ss:$0x1], $0xffff  }
0x73: {  	s31 =	smov.u32 s17;
	s4 =	simm.s32 $0x80;
	v5 =	vld.idx.msk [tilespmem:v4+s19+$0x0 ss:$0x1], $0xffff  }
.LBB2_11:
0x74: {  	p0 =	sne.s32 s4, $0x3C0;
	_ =	sdelay $0x5  }
0x75: {  	v6 =	vld.idx.msk [tilespmem:v6+s20+$0x0], $0xffff  }
0x76: {  	v7 =	vld.idx.msk [tilespmem:v5+s21+$0x0], $0xffff;
	_ =	sdelay $0x5  }
0x77: {  	v6 =	vadd.f32 v7, v6;
	_ =	sdelay $0x1  }
0x78: {  	v7 =	vmul.f32 $2.000000030e-01, v6;
	_ =	sdelay $0x1  }
0x79: {  	v6 =	vmax.f32 v6, v7  }
0x7a: {  	v6 =	vsub.f32 v6, v1;
	_ =	sdelay $0x1  }
0x7b: {  	v6 =	vmul.f32 $1.442695020e+00, v6;
	_ =	sdelay $0x1  }
0x7c: {  	(erf) = vpow2.f32 v6;
	_ =	sdelay $0x7  }
0x7d: {  	s31 =	sadd.s32 $0x10, s31  }
0x7e: {  	p1 =	slt.u32 s31, $0x50910;
	v6 =	vpop (erf)  }
.Ltmp4:
0x7f: {  	v6 =	vpsel !p1, $0x0, v6;
	(pc) =	sbr.rel @p0 .LBB2_11-.Ltmp4, $4  }
0x80: {  	[tilespmem:v2+s19+$0x0 ss:$0x1] =	vst.idx.msk $0xffff, v6  }
0x81: {  	s19 =	sshra.s32 s4, $0x2;
	[tilespmem:v5+s23+$0x0] =	vst.idx.add.f32.msk $0xffff, v6  }
0x82: {  	v6 =	vld.idx.msk [tilespmem:v3+s19+$0x0 ss:$0x1], $0xffff  }
0x83: {  	s4 =	sadd.s32 $0x40, s4;
	v5 =	vld.idx.msk [tilespmem:v4+s19+$0x0 ss:$0x1], $0xffff  }
0x84: {  	_ =	sdelay $0x6  }
0x85: {  	v3 =	vld.idx.msk [tilespmem:v6+s20+$0x0], $0xffff  }
0x86: {  	v4 =	vld.idx.msk [tilespmem:v5+s21+$0x0], $0xffff;
	_ =	sdelay $0x4  }
0x87: {  	v3 =	vadd.f32 v4, v3;
	_ =	sdelay $0x1  }
0x88: {  	v4 =	vmul.f32 $2.000000030e-01, v3;
	_ =	sdelay $0x1  }
0x89: {  	v3 =	vmax.f32 v3, v4  }
0x8a: {  	v3 =	vsub.f32 v3, v1;
	_ =	sdelay $0x1  }
0x8b: {  	v3 =	vmul.f32 $1.442695020e+00, v3;
	_ =	sdelay $0x1  }
0x8c: {  	(erf) = vpow2.f32 v3;
	_ =	sdelay $0x7  }
0x8d: {  	s4 =	sadd.s32 $0x10, s31  }
0x8e: {  	s1 =	sadd.s32 $0x1, s1;
	p0 =	slt.u32 s4, $0x50910;
	v3 =	vpop (erf)  }
0x8f: {  	v3 =	vpsel !p0, $0x0, v3;
	p0 =	sne.s32 s1, $0x2A  }
.Ltmp5:
0x90: {  	_ = 	snop;
	(pc) =	sbr.rel @p0 .LBB2_10-.Ltmp5, $3  }
0x91: {  	_ =	sdelay $0x1  }
0x92: {  	s17 =	sadd.s32 $0x100, s17;
	[tilespmem:v2+s19+$0x0 ss:$0x1] =	vst.idx.msk $0xffff, v3  }
0x93: {  	s29 =	sadd.s32 $0x100, s29;
	s30 =	sadd.s32 $0x100, s30;
	s28 =	sadd.s32 $0x100, s28;
	[tilespmem:v5+s23+$0x0] =	vst.idx.add.f32.msk $0xffff, v3  }
0x94: {  	s1 =	simm.s32 $0x0  }
0x95: {  	[hbm4b:s14+s1] =	stream.linear.scatter [tilespmem:s23], [sflag:$0x1], $0x2710, $0x38;
	[tilespmem:$0x1D340] =	vst v63  }
0x96: {  	_ =	swait.ge [sflag:s18], $0x2710  }
0x97: {  	[sflag:s18] =	ssyncset.done $0x0  }
0x98: {  	[sflag:s18] =	ssyncadd.s32 $0xFFFFD8F0  }
0x99: {  	s28 =	simm.s32 $0x0;
	[bflag:$0x0] =	sbarrier.arrive $0xFFFF  }
.LBB2_14:
0x9a: {  	s29 =	sshll.u32 s28, $0x8;
	v2 =	vmov s1  }
0x9b: {  	v1 =	vmov s29;
	v2 =	vand.u32 $0xFF, v2  }
0x9c: {  	v2 =	vor.u32 v1, v2  }
0x9d: {  	v2 =	vbroadcast v2, $0x0  }
0x9e: {  	[tilespmem:s22], [sflag:$0x1] =	stream.indirect.gather [hbm4b:s5+s24], $0x40, s29, s24, $0xb8;
	[tilespmem:$0x1D340] =	vst v63  }
0x9f: {  	_ =	swait.ge [sflag:s18], $0x4000  }
0xa0: {  	[sflag:s18] =	ssyncset.done $0x0  }
0xa1: {  	s4 =	simm.s32 $0xF350;
	[sflag:s18] =	ssyncadd.s32 $0xFFFFC000  }
0xa2: {  	v5 =	vld [tilespmem:s4+$0x10]  }
0xa3: {  	v3 =	vld.idx.msk [tilespmem:v2+s25+$0x0], $0xffff;
	_ =	sdelay $0x1  }
0xa4: {  	v4 =	vld [tilespmem:s4+$0xFFFFFFF0]  }
0xa5: {  	s17 =	simm.s32 $0x1;
	v7 =	vld [tilespmem:s4+$0x0]  }
0xa6: {  	v2 =	vmov s17  }
0xa7: {  	v2 =	vand.u32 $0xFF, v2;
	v6 =	vmul.f32 v5, v3;
	v5 =	vld [tilespmem:s4+$0xFFFFFFE0]  }
0xa8: {  	v2 =	vor.u32 v1, v2  }
0xa9: {  	v2 =	vbroadcast v2, $0x0  }
0xaa: {  	s19 =	simm.s32 $0x2;
	s17 =	simm.s32 $0xF350;
	v4 =	vmul.f32 v4, v3;
	v7 =	vmul.f32 v7, v3  }
.LBB2_15:
0xab: {  	p0 =	sne.s32 s19, $0xFF  }
0xac: {  	v3 =	vmul.f32 v5, v3;
	[tilespmem:s4+$0x10] =	vst v6;
	s17 =	sadd.s32 $0x40, s17;
	s30 =	smov.u32 s19;
	s19 =	sadd.s32 $0x1, s19  }
0xad: {  	[tilespmem:s4+$0x0] =	vst v7  }
0xae: {  	[tilespmem:s4+$0xFFFFFFE0] =	vst v3  }
0xaf: {  	v7 =	vld [tilespmem:s17+$0xFFFFFFF0];
	[tilespmem:s4+$0xFFFFFFF0] =	vst v4;
	s4 =	smov.u32 s17  }
0xb0: {  	v3 =	vld.idx.msk [tilespmem:v2+s25+$0x0], $0xffff  }
0xb1: {  	v4 =	vld [tilespmem:s17+$0x10]  }
0xb2: {  	v8 =	vld [tilespmem:s17+$0x0]  }
.Ltmp6:
0xb3: {  	v2 =	vmov s30;
	v5 =	vld [tilespmem:s17+$0xFFFFFFE0];
	(pc) =	sbr.rel @p0 .LBB2_15-.Ltmp6, $4  }
0xb4: {  	v2 =	vand.u32 $0xFF, v2  }
0xb5: {  	v2 =	vor.u32 v1, v2  }
0xb6: {  	v2 =	vbroadcast v2, $0x0;
	v6 =	vmul.f32 v4, v3  }
0xb7: {  	v4 =	vmul.f32 v7, v3;
	v7 =	vmul.f32 v8, v3  }
0xb8: {  	v1 =	vmul.f32 v5, v3;
	[tilespmem:s4+$0x10] =	vst v6  }
0xb9: {  	[tilespmem:s4+$0x0] =	vst v7  }
0xba: {  	s17 =	sadd.s32 $0x40, s17;
	[tilespmem:s4+$0xFFFFFFE0] =	vst v1  }
0xbb: {  	v1 =	vld [tilespmem:s17+$0xFFFFFFF0];
	[tilespmem:s4+$0xFFFFFFF0] =	vst v4  }
0xbc: {  	v2 =	vld.idx.msk [tilespmem:v2+s25+$0x0], $0xffff  }
0xbd: {  	v3 =	vld [tilespmem:s17+$0x10]  }
0xbe: {  	v4 =	vld [tilespmem:s17+$0x0]  }
0xbf: {  	v63 =	vld [tilespmem:s17+$0xFFFFFFE0];
	_ =	sdelay $0x2  }
0xc0: {  	v3 =	vmul.f32 v3, v2  }
0xc1: {  	v4 =	vmul.f32 v4, v2  }
0xc2: {  	v5 =	vmul.f32 v63, v2;
	[tilespmem:s17+$0x10] =	vst v3  }
0xc3: {  	s28 =	sadd.s32 $0x1, s28;
	v1 =	vmul.f32 v1, v2;
	[tilespmem:s17+$0x0] =	vst v4  }
0xc4: {  	p0 =	sne.s32 s28, $0x2A;
	[tilespmem:s17+$0xFFFFFFE0] =	vst v5  }
.Ltmp7:
0xc5: {  	s31 =	sadd.s32 $0x2A00, s29;
	[tilespmem:s17+$0xFFFFFFF0] =	vst v1;
	(pc) =	sbr.rel @p0 .LBB2_14-.Ltmp7, $4  }
0xc6: {  	[spmem:s2] =	stream.indirect.scatter.add.f32 [tilespmem:s22], [sflag:$0x1], $0x40, s31, s24, $0xb8;
	[tilespmem:$0x1D340] =	vst v63  }
0xc7: {  	_ =	swait.ge [sflag:s18], $0x4000  }
0xc8: {  	[sflag:s18] =	ssyncset.done $0x0  }
0xc9: {  	[sflag:s18] =	ssyncadd.s32 $0xFFFFC000  }
0xca: {  	s1 =	stileid.u32;
	s26 =	sadd.s32 $0x1, s26  }
0xcb: {  	[bflag:$0x0] =	sbarrier.arrive $0xFFFF;
	s1 =	sshll.u32 s1, $0x6;
	p0 =	sne.s32 s26, s16  }
.Ltmp8:
0xcc: {  	s4 =	sshrl.u32 s9, $0x3;
	s1 =	sor.u32 $0x1C01, s1;
	(pc) =	sbr.rel @p0 .LBB2_1-.Ltmp8, $4  }
0xcd: {  	[hbm:s15], [sflag:s1] =	dma.local [spmem:s4], $0x1400  }
0xce: {  	_ =	swait.ge [sflag:s18], $0x1400  }
0xcf: {  	[sflag:s18] =	ssyncset.done $0x0  }
0xd0: {  	[sflag:s18] =	ssyncadd.s32 $0xFFFFEC00  }
0xd1: {  	_ =	sfence.sel $0x180000  }
0xd2: {  	[bflag:$0x0] =	sbarrier.arrive $0xFFFF  }
0xd3: {  	_ =	strace $0x90000047  }
0xd4: {  	s0 =	stileid.u32;
	[bflag:$0x2] =	sbarrier.arrive $0xFFFF  }
0xd5: {  	p0 =	sne.s32 s0, $0x0;
	s0 =	rddreg [dreg:$0x2]  }
0xd6: {  	s0 =	sadd.s32 @!p0 $0x100000, s0  }
0xd7: {  	[sflag:s0] =	ssyncadd.tile.s32 @!p0 $0x1;
	_ =	shalt  }
.Lfunc_end2:
_tile_overlayer_lowered:
.L_overlay_start_2:
0xd8: {  	(tag) =	ssettag $0x2  }
0xd9: {  	s0 =	rddreg [dreg:$0x0];
	s2 =	stileid.u32  }
0xda: {  	s1 =	rddreg [dreg:$0x1];
	p0 =	sne.s32 s2, $0x0  }
0xdb: {  	s3 =	rddreg [dreg:$0x2];
	[bflag:$0x3] =	sbarrier.arrive $0xFFFF;
	s2 =	simm.s32 @!p0 $0x1C01  }
0xdc: {  	[timem:s3], [sflag:s2] =	dma.local @!p0 [hbm:s0], s1  }
0xdd: {  	s0 =	simm.s32 @!p0 $0x1  }
0xde: {  	_ =	swait.ge @!p0 [sflag:s0], s1  }
0xdf: {  	s1 =	ssub.s32 @!p0 $0x0, s1;
	[sflag:s0] =	ssyncset.done @!p0 $0x0  }
0xe0: {  	[sflag:s0] =	ssyncadd.s32 @!p0 s1  }
0xe1: {  	[bflag:$0x3] =	sbarrier.arrive $0xFFFF  }
0xe2: {  	_ =	shalt  }

</sc_bundles>
